<compile_context>
chip_gen: v7x
topology: tpu7x:2x2x1
jax: 0.10.2.dev20260603
libtpu: 0.0.44.dev20260713+nightly
codegen_flags: <defaults>
</compile_context>

<pallas_src>
import functools

import jax
import jax.numpy as jnp
from jax import lax
from jax.experimental import pallas as pl
from jax.experimental.pallas import tpu as pltpu
from jax.experimental.pallas import tpu_sc as plsc

N = 10000
E = 320000
D = 128

NCORES = 2
NSUB = 16
NTILES = NCORES * NSUB
CHUNK = 128
CPT = 80
NCHUNKS = NTILES * CPT
EPAD = NCHUNKS * CHUNK
NPAD = 10112
DEGP = 10240

_mesh = plsc.VectorSubcoreMesh(core_axis_name="c", subcore_axis_name="s")


@functools.partial(
    pl.kernel,
    out_type=jax.ShapeDtypeStruct((NCORES, DEGP), jnp.float32),
    mesh=_mesh,
    scratch_types=[
        pltpu.VMEM_SHARED((DEGP,), jnp.float32),
        pltpu.VMEM((CPT, CHUNK), jnp.int32),
        pltpu.VMEM((CHUNK,), jnp.float32),
        pltpu.VMEM((640,), jnp.float32),
    ],
)
def _deg_kernel(dst_hbm, out_hbm, deg_sh, idx_v, ones_v, z_v):
    c = lax.axis_index("c")
    s = lax.axis_index("s")
    wid = c * NSUB + s

    def fill(i, _):
        z_v[pl.ds(i * 16, 16)] = jnp.zeros((16,), jnp.float32)
        return 0
    lax.fori_loop(0, 640 // 16, fill, 0)

    def fill1(i, _):
        ones_v[pl.ds(i * 16, 16)] = jnp.ones((16,), jnp.float32)
        return 0
    lax.fori_loop(0, CHUNK // 16, fill1, 0)

    pltpu.sync_copy(z_v, deg_sh.at[pl.ds(s * 640, 640)])
    pltpu.sync_copy(dst_hbm.at[pl.ds(wid * CPT, CPT)], idx_v)
    plsc.subcore_barrier()

    def body(j, _):
        pltpu.sync_copy(ones_v, deg_sh.at[idx_v.at[j]], add=True)
        return 0
    lax.fori_loop(0, CPT, body, 0)

    plsc.subcore_barrier()
    pltpu.sync_copy(deg_sh.at[pl.ds(s * 640, 640)], out_hbm.at[c, pl.ds(s * 640, 640)])


@functools.partial(
    pl.kernel,
    out_type=jax.ShapeDtypeStruct((NCORES, NPAD, D), jnp.float32),
    mesh=_mesh,
    scratch_types=[
        pltpu.VMEM_SHARED((NPAD, D), jnp.float32),
        pltpu.VMEM((CPT // 2, CHUNK), jnp.int32),
        pltpu.VMEM((CPT // 2, CHUNK), jnp.int32),
        pltpu.VMEM((2, CHUNK, D), jnp.float32),
        pltpu.VMEM((8, D), jnp.float32),
        pltpu.SemaphoreType.DMA,
        pltpu.SemaphoreType.DMA,
    ],
)
def _acc_kernel(h3_hbm, src_hbm, dst_hbm, out_hbm, acc_sh, sidx_v, didx_v,
                rows_v, zb_v, sem0, sem1):
    c = lax.axis_index("c")
    s = lax.axis_index("s")
    wid = c * NSUB + s

    def zfill(i, _):
        def zrow(k, _):
            zb_v[i, pl.ds(k * 16, 16)] = jnp.zeros((16,), jnp.float32)
            return 0
        lax.fori_loop(0, D // 16, zrow, 0)
        return 0
    lax.fori_loop(0, 8, zfill, 0)

    def zacc(i, _):
        pltpu.sync_copy(zb_v, acc_sh.at[pl.ds(s * (NPAD // NSUB) + i * 8, 8)])
        return 0
    lax.fori_loop(0, NPAD // NSUB // 8, zacc, 0)

    plsc.subcore_barrier()

    sems = (sem0, sem1)
    half = CPT // 2
    for h in range(2):
        pltpu.sync_copy(src_hbm.at[pl.ds(wid * CPT + h * half, half)], sidx_v)
        pltpu.sync_copy(dst_hbm.at[pl.ds(wid * CPT + h * half, half)], didx_v)
        for b in range(2):
            pltpu.async_copy(h3_hbm.at[sidx_v.at[b]], rows_v.at[b], sems[b])

        def body(i, _):
            for b in range(2):
                j = 2 * i + b
                pltpu.make_async_copy(
                    h3_hbm.at[pl.ds(0, CHUNK)], rows_v.at[b], sems[b]).wait()
                pltpu.sync_copy(rows_v.at[b], acc_sh.at[didx_v.at[j]], add=True)
                jn = lax.rem(j + 2, half)
                pltpu.async_copy(h3_hbm.at[sidx_v.at[jn]], rows_v.at[b], sems[b])
            return 0
        lax.fori_loop(0, half // 2, body, 0)
        for b in range(2):
            pltpu.make_async_copy(
                h3_hbm.at[pl.ds(0, CHUNK)], rows_v.at[b], sems[b]).wait()

    plsc.subcore_barrier()
    rpt = NPAD // NSUB
    pltpu.sync_copy(acc_sh.at[pl.ds(s * rpt, rpt)], out_hbm.at[c, pl.ds(s * rpt, rpt)])


def _h3_body(x_ref, w_ref, degp_ref, g_ref, bt_ref, o_ref):
    xb = x_ref[...]
    mean = jnp.mean(xb, axis=1, keepdims=True)
    xc = xb - mean
    var = jnp.mean(xc * xc, axis=1, keepdims=True)
    h = xc * lax.rsqrt(var + 1e-5) * g_ref[...] + bt_ref[...]
    h2 = jnp.dot(h, w_ref[...], preferred_element_type=jnp.float32)
    deg = jnp.sum(degp_ref[...], axis=0) + 1.0
    o_ref[...] = h2 * lax.rsqrt(deg)[:, None]


def _out_body(x_ref, acc_ref, h3_ref, degp_ref, b_ref, o_ref):
    acc = acc_ref[0] + acc_ref[1] + h3_ref[...]
    deg = jnp.sum(degp_ref[...], axis=0) + 1.0
    g = lax.rsqrt(deg)[:, None] * acc + b_ref[...]
    o_ref[...] = jnp.maximum(x_ref[...] + g, 0.0)


_RB = 2048
_NB = 5


def kernel(x, edge_index, W, b, ln_gamma, ln_beta):
    ei = edge_index.astype(jnp.int32)
    pad_i = jnp.arange(EPAD - E, dtype=jnp.int32)
    src = jnp.concatenate([ei[0], pad_i % N])
    dst = jnp.concatenate([ei[1], N + pad_i % (NPAD - N)])
    src2d = src.reshape(NCHUNKS, CHUNK)
    dst2d = dst.reshape(NCHUNKS, CHUNK)

    deg_parts = _deg_kernel(dst2d)

    h3 = pl.pallas_call(
        _h3_body,
        grid=(_NB,),
        in_specs=[
            pl.BlockSpec((_RB, D), lambda i: (i, 0)),
            pl.BlockSpec((D, D), lambda i: (0, 0)),
            pl.BlockSpec((NCORES, _RB), lambda i: (0, i)),
            pl.BlockSpec((1, D), lambda i: (0, 0)),
            pl.BlockSpec((1, D), lambda i: (0, 0)),
        ],
        out_specs=pl.BlockSpec((_RB, D), lambda i: (i, 0)),
        out_shape=jax.ShapeDtypeStruct((N, D), jnp.float32),
    )(x, W, deg_parts, ln_gamma.reshape(1, D), ln_beta.reshape(1, D))

    acc_parts = _acc_kernel(h3, src2d, dst2d)

    out = pl.pallas_call(
        _out_body,
        grid=(_NB,),
        in_specs=[
            pl.BlockSpec((_RB, D), lambda i: (i, 0)),
            pl.BlockSpec((NCORES, _RB, D), lambda i: (0, i, 0)),
            pl.BlockSpec((_RB, D), lambda i: (i, 0)),
            pl.BlockSpec((NCORES, _RB), lambda i: (0, i)),
            pl.BlockSpec((1, D), lambda i: (0, 0)),
        ],
        out_specs=pl.BlockSpec((_RB, D), lambda i: (i, 0)),
        out_shape=jax.ShapeDtypeStruct((N, D), jnp.float32),
    )(x, acc_parts, h3, deg_parts, b.reshape(1, D))

    return out

# --- scband reference (transcript-rebuilt; emitter-appended) ---
"""Pipeline reference for scband-residual-graph-conv-58634893525278 (READ-ONLY COPY).

The authoritative reference and input builder live on the scoring server;
editing this copy changes nothing except your own understanding.
"""

import jax, jax.numpy as jnp
import numpy as np

N = 10000
E = 320000
D = 128

def setup_inputs(seed: int = 0) -> dict:
    key = jax.random.key(seed)
    k1, k2, k3 = jax.random.split(key, 3)
    x = jax.random.normal(k1, (N, D), dtype=jnp.float32)
    edge_index = jax.random.randint(k2, (2, E), 0, N, dtype=jnp.int64)
    W = jax.random.normal(k3, (D, D), dtype=jnp.float32) * (1.0 / np.sqrt(D))
    b = jnp.zeros((D,), dtype=jnp.float32)
    ln_gamma = jnp.ones((D,), dtype=jnp.float32)
    ln_beta = jnp.zeros((D,), dtype=jnp.float32)
    return {"x": x, "edge_index": edge_index, "W": W, "b": b, "ln_gamma": ln_gamma, "ln_beta": ln_beta}

def _layer_norm(x, gamma, beta, eps=1e-5):
    mean = jnp.mean(x, axis=-1, keepdims=True)
    var = jnp.mean((x - mean) ** 2, axis=-1, keepdims=True)
    return (x - mean) / jnp.sqrt(var + eps) * gamma + beta

def _gcn_conv(x, edge_index, W, b, num_nodes):
    # PyG GCNConv: add self-loops, symmetric normalization, lin before propagate
    src = edge_index[0]
    dst = edge_index[1]
    loop = jnp.arange(num_nodes, dtype=edge_index.dtype)
    src = jnp.concatenate([src, loop])
    dst = jnp.concatenate([dst, loop])
    deg = jnp.zeros((num_nodes,), dtype=x.dtype).at[dst].add(1.0)
    deg_inv_sqrt = jnp.where(deg > 0, 1.0 / jnp.sqrt(deg), 0.0)
    norm = deg_inv_sqrt[src] * deg_inv_sqrt[dst]
    h = x @ W
    msg = h[src] * norm[:, None]
    out = jnp.zeros_like(h).at[dst].add(msg)
    return out + b

def reference(x, edge_index, W, b, ln_gamma, ln_beta):
    h = _layer_norm(x, ln_gamma, ln_beta)
    h = _gcn_conv(h, edge_index, W, b, x.shape[0])
    return jax.nn.relu(x + h)

if __name__ == "__main__":
    import jax
    _d = setup_inputs()
    print(jax.jit(kernel)(*tuple(_d.values())))

</pallas_src>

<mosaic_0001>
#map = affine_map<(d0, d1) -> (0, 0)>
#map1 = affine_map<(d0, d1) -> (0, 0, 0)>
module attributes {stable_mosaic.version = 14 : i64} {
  func.func @_acc_kernel(%arg0: i32, %arg1: i32, %arg2: memref<10000x128xf32, #tpu.memory_space<hbm>>, %arg3: memref<2560x128xi32, #tpu.memory_space<hbm>>, %arg4: memref<2560x128xi32, #tpu.memory_space<hbm>>, %arg5: memref<2x10112x128xf32, #tpu.memory_space<hbm>>, %arg6: memref<10112x128xf32, #tpu.memory_space<vmem_shared>>, %arg7: memref<40x128xi32, #tpu.memory_space<vmem>>, %arg8: memref<40x128xi32, #tpu.memory_space<vmem>>, %arg9: memref<2x128x128xf32, #tpu.memory_space<vmem>>, %arg10: memref<8x128xf32, #tpu.memory_space<vmem>>, %arg11: memref<!tpu.dma_semaphore, #tpu.memory_space<semaphore_mem>>, %arg12: memref<!tpu.dma_semaphore, #tpu.memory_space<semaphore_mem>>) attributes {dimension_semantics = [#tpu.dimension_semantics<core_parallel>, #tpu.dimension_semantics<subcore_parallel>], iteration_bounds = array<i64: 2, 16>, scalar_prefetch = 0 : i64, scratch_operands = 7 : i64, tpu.core_type = #tpu.core_type<sc_vector_subcore>, window_params = [{transform_indices = #map}, {transform_indices = #map}, {transform_indices = #map}, {transform_indices = #map1}]} {
    %mul3A = arith.constant 16 : i32
    %mul3A_0 = arith.muli %arg0, %mul3A : i32
    %add3A = arith.addi %mul3A_0, %arg1 : i32
    %scan3A = arith.constant 0 : i32
    %scan3A_1 = arith.constant 0 : i32
    %scan3A_2 = arith.constant 8 : i32
    %scan3A_3 = arith.addi %scan3A_1, %scan3A_2 : i32
    %scan3A_4 = arith.constant 1 : i32
    %scan3A_5 = scf.for %scan3A_155 = %scan3A_1 to %scan3A_3 step %scan3A_4 iter_args(%scan3A_156 = %scan3A) -> (i32)  : i32 {
      %scan3A_157 = arith.constant 0 : i32
      %scan3A_158 = arith.constant 0 : i32
      %scan3A_159 = arith.constant 8 : i32
      %scan3A_160 = arith.addi %scan3A_158, %scan3A_159 : i32
      %scan3A_161 = arith.constant 1 : i32
      %scan3A_162 = scf.for %scan3A_165 = %scan3A_158 to %scan3A_160 step %scan3A_161 iter_args(%scan3A_166 = %scan3A_157) -> (i32)  : i32 {
        %broadcast_in_dim3A = arith.constant 0.000000e+00 : f32
        %broadcast_in_dim3A_167 = vector.broadcast %broadcast_in_dim3A : f32 to vector<16xf32>
        %mul3A_168 = arith.constant 16 : i32
        %mul3A_169 = arith.muli %scan3A_165, %mul3A_168 : i32
        %swap3A = arith.index_cast %scan3A_155 : i32 to index
        %swap3A_170 = arith.index_cast %mul3A_169 : i32 to index
        %swap3A_171 = tpu.vector_load %arg10[%swap3A, %swap3A_170] {strides = array<i32>} : memref<8x128xf32, #tpu.memory_space<vmem>>, vector<1x16xf32>,
        %swap3A_172 = vector.shape_cast %swap3A_171 : vector<1x16xf32> to vector<16xf32>
        %swap3A_173 = vector.shape_cast %broadcast_in_dim3A_167 : vector<16xf32> to vector<1x16xf32>
        tpu.vector_store %arg10[%swap3A, %swap3A_170], %swap3A_173 {strides = array<i32>} : memref<8x128xf32, #tpu.memory_space<vmem>>, vector<1x16xf32>,
        %scan3A_174 = arith.constant 0 : i32
        scf.yield %scan3A_174 : i32
      }
      %scan3A_163 = arith.constant 8 : i32
      %scan3A_164 = arith.constant 0 : i32
      scf.yield %scan3A_164 : i32
    }
    %scan3A_6 = arith.constant 8 : i32
    %scan3A_7 = arith.constant 0 : i32
    %scan3A_8 = arith.constant 0 : i32
    %scan3A_9 = arith.constant 79 : i32
    %scan3A_10 = arith.addi %scan3A_8, %scan3A_9 : i32
    %scan3A_11 = arith.constant 1 : i32
    %scan3A_12 = scf.for %scan3A_155 = %scan3A_8 to %scan3A_10 step %scan3A_11 iter_args(%scan3A_156 = %scan3A_7) -> (i32)  : i32 {
      %mul3A_157 = arith.constant 632 : i32
      %mul3A_158 = arith.muli %arg1, %mul3A_157 : i32
      %mul3A_159 = arith.constant 8 : i32
      %mul3A_160 = arith.muli %scan3A_155, %mul3A_159 : i32
      %add3A_161 = arith.addi %mul3A_158, %mul3A_160 : i32
      "tpu.region"() ({
        %run_scoped3A = tpu.sem_alloc : memref<!tpu.dma_semaphore, #tpu.memory_space<semaphore_mem>>
        %dma_start3A_163 = arith.constant 0 : i32
        %dma_start3A_164 = tpu.memref_slice %arg6[%add3A_161, %dma_start3A_163] : memref<10112x128xf32, #tpu.memory_space<vmem_shared>> -> memref<8x128xf32, #tpu.memory_space<vmem_shared>>
        %dma_start3A_165 = arith.constant 0 : i32
        %dma_start3A_166 = tpu.memref_slice %arg6[%add3A_161, %dma_start3A_165] : memref<10112x128xf32, #tpu.memory_space<vmem_shared>> -> memref<8x128xf32, #tpu.memory_space<vmem_shared>>
        tpu.enqueue_dma source(%arg10 : memref<8x128xf32, #tpu.memory_space<vmem>>) target(%dma_start3A_166 : memref<8x128xf32, #tpu.memory_space<vmem_shared>>) target_semaphore(%run_scoped3A : memref<!tpu.dma_semaphore, #tpu.memory_space<semaphore_mem>>)
        %dma_wait3A_167 = arith.constant 0 : i32
        %dma_wait3A_168 = tpu.memref_slice %arg6[%add3A_161, %dma_wait3A_167] : memref<10112x128xf32, #tpu.memory_space<vmem_shared>> -> memref<8x128xf32, #tpu.memory_space<vmem_shared>>
        %dma_wait3A_169 = arith.constant 0 : i32
        %dma_wait3A_170 = tpu.memref_slice %arg6[%add3A_161, %dma_wait3A_169] : memref<10112x128xf32, #tpu.memory_space<vmem_shared>> -> memref<8x128xf32, #tpu.memory_space<vmem_shared>>
        tpu.wait_dma2 semaphore(%run_scoped3A : memref<!tpu.dma_semaphore, #tpu.memory_space<semaphore_mem>>) src(%arg10 : memref<8x128xf32, #tpu.memory_space<vmem>>) dst(%dma_wait3A_170 : memref<8x128xf32, #tpu.memory_space<vmem_shared>>)
        tpu.yield
      }) : () -> ()
      %scan3A_162 = arith.constant 0 : i32
      scf.yield %scan3A_162 : i32
    }
    %scan3A_13 = arith.constant 79 : i32
    %barrier3A = arith.constant 0 : index
    tpu.barrier barrier_id(%barrier3A)
    %mul3A_14 = arith.constant 80 : i32
    %mul3A_15 = arith.muli %add3A, %mul3A_14 : i32
    %add3A_16 = arith.constant 0 : i32
    %add3A_17 = arith.addi %mul3A_15, %add3A_16 : i32
    "tpu.region"() ({
      %run_scoped3A = tpu.sem_alloc : memref<!tpu.dma_semaphore, #tpu.memory_space<semaphore_mem>>
      %dma_start3A_155 = arith.constant 0 : i32
      %dma_start3A_156 = tpu.memref_slice %arg3[%add3A_17, %dma_start3A_155] : memref<2560x128xi32, #tpu.memory_space<hbm>> -> memref<40x128xi32, #tpu.memory_space<hbm>>
      %dma_start3A_157 = arith.constant 0 : i32
      %dma_start3A_158 = tpu.memref_slice %arg3[%add3A_17, %dma_start3A_157] : memref<2560x128xi32, #tpu.memory_space<hbm>> -> memref<40x128xi32, #tpu.memory_space<hbm>>
      tpu.enqueue_dma source(%dma_start3A_158 : memref<40x128xi32, #tpu.memory_space<hbm>>) target(%arg7 : memref<40x128xi32, #tpu.memory_space<vmem>>) target_semaphore(%run_scoped3A : memref<!tpu.dma_semaphore, #tpu.memory_space<semaphore_mem>>)
      %dma_wait3A_159 = arith.constant 0 : i32
      %dma_wait3A_160 = tpu.memref_slice %arg3[%add3A_17, %dma_wait3A_159] : memref<2560x128xi32, #tpu.memory_space<hbm>> -> memref<40x128xi32, #tpu.memory_space<hbm>>
      %dma_wait3A_161 = arith.constant 0 : i32
      %dma_wait3A_162 = tpu.memref_slice %arg3[%add3A_17, %dma_wait3A_161] : memref<2560x128xi32, #tpu.memory_space<hbm>> -> memref<40x128xi32, #tpu.memory_space<hbm>>
      tpu.wait_dma2 semaphore(%run_scoped3A : memref<!tpu.dma_semaphore, #tpu.memory_space<semaphore_mem>>) src(%dma_wait3A_162 : memref<40x128xi32, #tpu.memory_space<hbm>>) dst(%arg7 : memref<40x128xi32, #tpu.memory_space<vmem>>)
      tpu.yield
    }) : () -> ()
    %mul3A_18 = arith.constant 80 : i32
    %mul3A_19 = arith.muli %add3A, %mul3A_18 : i32
    %add3A_20 = arith.constant 0 : i32
    %add3A_21 = arith.addi %mul3A_19, %add3A_20 : i32
    "tpu.region"() ({
      %run_scoped3A = tpu.sem_alloc : memref<!tpu.dma_semaphore, #tpu.memory_space<semaphore_mem>>
      %dma_start3A_155 = arith.constant 0 : i32
      %dma_start3A_156 = tpu.memref_slice %arg4[%add3A_21, %dma_start3A_155] : memref<2560x128xi32, #tpu.memory_space<hbm>> -> memref<40x128xi32, #tpu.memory_space<hbm>>
      %dma_start3A_157 = arith.constant 0 : i32
      %dma_start3A_158 = tpu.memref_slice %arg4[%add3A_21, %dma_start3A_157] : memref<2560x128xi32, #tpu.memory_space<hbm>> -> memref<40x128xi32, #tpu.memory_space<hbm>>
      tpu.enqueue_dma source(%dma_start3A_158 : memref<40x128xi32, #tpu.memory_space<hbm>>) target(%arg8 : memref<40x128xi32, #tpu.memory_space<vmem>>) target_semaphore(%run_scoped3A : memref<!tpu.dma_semaphore, #tpu.memory_space<semaphore_mem>>)
      %dma_wait3A_159 = arith.constant 0 : i32
      %dma_wait3A_160 = tpu.memref_slice %arg4[%add3A_21, %dma_wait3A_159] : memref<2560x128xi32, #tpu.memory_space<hbm>> -> memref<40x128xi32, #tpu.memory_space<hbm>>
      %dma_wait3A_161 = arith.constant 0 : i32
      %dma_wait3A_162 = tpu.memref_slice %arg4[%add3A_21, %dma_wait3A_161] : memref<2560x128xi32, #tpu.memory_space<hbm>> -> memref<40x128xi32, #tpu.memory_space<hbm>>
      tpu.wait_dma2 semaphore(%run_scoped3A : memref<!tpu.dma_semaphore, #tpu.memory_space<semaphore_mem>>) src(%dma_wait3A_162 : memref<40x128xi32, #tpu.memory_space<hbm>>) dst(%arg8 : memref<40x128xi32, #tpu.memory_space<vmem>>)
      tpu.yield
    }) : () -> ()
    %dma_start3A = arith.constant 0 : i32
    %dma_start3A_22 = arith.constant 0 : i32
    %dma_start3A_23 = arith.constant 0 : i32
    %dma_start3A_24 = arith.constant 0 : i32
    %dma_start3A_25 = tpu.memref_slice %arg9[%dma_start3A_22, %dma_start3A_23, %dma_start3A_24] : memref<2x128x128xf32, #tpu.memory_space<vmem>> -> memref<1x128x128xf32, #tpu.memory_space<vmem>>
    %dma_start3A_26 = tpu.memref_squeeze %dma_start3A_25 : memref<1x128x128xf32, #tpu.memory_space<vmem>> -> memref<128x128xf32, #tpu.memory_space<vmem>>
    %dma_start3A_27 = arith.constant 0 : i32
    %dma_start3A_28 = tpu.memref_slice %arg7[%dma_start3A, %dma_start3A_27] : memref<40x128xi32, #tpu.memory_space<vmem>> -> memref<1x128xi32, #tpu.memory_space<vmem>>
    %dma_start3A_29 = tpu.memref_squeeze %dma_start3A_28 : memref<1x128xi32, #tpu.memory_space<vmem>> -> memref<128xi32, #tpu.memory_space<vmem>>
    %dma_start3A_30 = arith.constant 0 : i32
    %dma_start3A_31 = arith.constant 0 : i32
    %dma_start3A_32 = tpu.memref_slice %arg2[%dma_start3A_30, %dma_start3A_31] : memref<10000x128xf32, #tpu.memory_space<hbm>> -> memref<10000x128xf32, #tpu.memory_space<hbm>>
    tpu.enqueue_indirect_dma source(%dma_start3A_32 : memref<10000x128xf32, #tpu.memory_space<hbm>>) target(%dma_start3A_26 : memref<128x128xf32, #tpu.memory_space<vmem>>) offsets(%dma_start3A_29 : memref<128xi32, #tpu.memory_space<vmem>>) semaphore(%arg11 : memref<!tpu.dma_semaphore, #tpu.memory_space<semaphore_mem>>)
    %dma_start3A_33 = arith.constant 1 : i32
    %dma_start3A_34 = arith.constant 1 : i32
    %dma_start3A_35 = arith.constant 0 : i32
    %dma_start3A_36 = arith.constant 0 : i32
    %dma_start3A_37 = tpu.memref_slice %arg9[%dma_start3A_34, %dma_start3A_35, %dma_start3A_36] : memref<2x128x128xf32, #tpu.memory_space<vmem>> -> memref<1x128x128xf32, #tpu.memory_space<vmem>>
    %dma_start3A_38 = tpu.memref_squeeze %dma_start3A_37 : memref<1x128x128xf32, #tpu.memory_space<vmem>> -> memref<128x128xf32, #tpu.memory_space<vmem>>
    %dma_start3A_39 = arith.constant 0 : i32
    %dma_start3A_40 = tpu.memref_slice %arg7[%dma_start3A_33, %dma_start3A_39] : memref<40x128xi32, #tpu.memory_space<vmem>> -> memref<1x128xi32, #tpu.memory_space<vmem>>
    %dma_start3A_41 = tpu.memref_squeeze %dma_start3A_40 : memref<1x128xi32, #tpu.memory_space<vmem>> -> memref<128xi32, #tpu.memory_space<vmem>>
    %dma_start3A_42 = arith.constant 0 : i32
    %dma_start3A_43 = arith.constant 0 : i32
    %dma_start3A_44 = tpu.memref_slice %arg2[%dma_start3A_42, %dma_start3A_43] : memref<10000x128xf32, #tpu.memory_space<hbm>> -> memref<10000x128xf32, #tpu.memory_space<hbm>>
    tpu.enqueue_indirect_dma source(%dma_start3A_44 : memref<10000x128xf32, #tpu.memory_space<hbm>>) target(%dma_start3A_38 : memref<128x128xf32, #tpu.memory_space<vmem>>) offsets(%dma_start3A_41 : memref<128xi32, #tpu.memory_space<vmem>>) semaphore(%arg12 : memref<!tpu.dma_semaphore, #tpu.memory_space<semaphore_mem>>)
    %scan3A_45 = arith.constant 0 : i32
    %scan3A_46 = arith.constant 0 : i32
    %scan3A_47 = arith.constant 20 : i32
    %scan3A_48 = arith.addi %scan3A_46, %scan3A_47 : i32
    %scan3A_49 = arith.constant 1 : i32
    %scan3A_50 = scf.for %scan3A_155 = %scan3A_46 to %scan3A_48 step %scan3A_49 iter_args(%scan3A_156 = %scan3A_45) -> (i32)  : i32 {
      %mul3A_157 = arith.constant 2 : i32
      %mul3A_158 = arith.muli %mul3A_157, %scan3A_155 : i32
      %add3A_159 = arith.constant 0 : i32
      %add3A_160 = arith.addi %mul3A_158, %add3A_159 : i32
      %dma_wait3A_161 = arith.constant 0 : i32
      %dma_wait3A_162 = arith.constant 0 : i32
      %dma_wait3A_163 = arith.constant 0 : i32
      %dma_wait3A_164 = tpu.memref_slice %arg9[%dma_wait3A_161, %dma_wait3A_162, %dma_wait3A_163] : memref<2x128x128xf32, #tpu.memory_space<vmem>> -> memref<1x128x128xf32, #tpu.memory_space<vmem>>
      %dma_wait3A_165 = tpu.memref_squeeze %dma_wait3A_164 : memref<1x128x128xf32, #tpu.memory_space<vmem>> -> memref<128x128xf32, #tpu.memory_space<vmem>>
      %dma_wait3A_166 = arith.constant 0 : i32
      %dma_wait3A_167 = arith.constant 0 : i32
      %dma_wait3A_168 = tpu.memref_slice %arg2[%dma_wait3A_166, %dma_wait3A_167] : memref<10000x128xf32, #tpu.memory_space<hbm>> -> memref<128x128xf32, #tpu.memory_space<hbm>>
      %dma_wait3A_169 = arith.constant 0 : i32
      %dma_wait3A_170 = arith.constant 0 : i32
      %dma_wait3A_171 = tpu.memref_slice %arg9[%dma_wait3A_161, %dma_wait3A_169, %dma_wait3A_170] : memref<2x128x128xf32, #tpu.memory_space<vmem>> -> memref<1x128x128xf32, #tpu.memory_space<vmem>>
      %dma_wait3A_172 = tpu.memref_squeeze %dma_wait3A_171 : memref<1x128x128xf32, #tpu.memory_space<vmem>> -> memref<128x128xf32, #tpu.memory_space<vmem>>
      %dma_wait3A_173 = arith.constant 0 : i32
      %dma_wait3A_174 = arith.constant 0 : i32
      %dma_wait3A_175 = tpu.memref_slice %arg2[%dma_wait3A_173, %dma_wait3A_174] : memref<10000x128xf32, #tpu.memory_space<hbm>> -> memref<128x128xf32, #tpu.memory_space<hbm>>
      tpu.wait_dma2 semaphore(%arg11 : memref<!tpu.dma_semaphore, #tpu.memory_space<semaphore_mem>>) src(%dma_wait3A_175 : memref<128x128xf32, #tpu.memory_space<hbm>>) dst(%dma_wait3A_172 : memref<128x128xf32, #tpu.memory_space<vmem>>)
      %run_scoped3A = arith.constant 0 : i32
      "tpu.region"() ({
        %run_scoped3A_226 = tpu.sem_alloc : memref<!tpu.dma_semaphore, #tpu.memory_space<semaphore_mem>>
        %dma_start3A_227 = arith.constant 0 : i32
        %dma_start3A_228 = arith.constant 0 : i32
        %dma_start3A_229 = tpu.memref_slice %arg9[%run_scoped3A, %dma_start3A_227, %dma_start3A_228] : memref<2x128x128xf32, #tpu.memory_space<vmem>> -> memref<1x128x128xf32, #tpu.memory_space<vmem>>
        %dma_start3A_230 = tpu.memref_squeeze %dma_start3A_229 : memref<1x128x128xf32, #tpu.memory_space<vmem>> -> memref<128x128xf32, #tpu.memory_space<vmem>>
        %dma_start3A_231 = arith.constant 0 : i32
        %dma_start3A_232 = tpu.memref_slice %arg8[%add3A_160, %dma_start3A_231] : memref<40x128xi32, #tpu.memory_space<vmem>> -> memref<1x128xi32, #tpu.memory_space<vmem>>
        %dma_start3A_233 = tpu.memref_squeeze %dma_start3A_232 : memref<1x128xi32, #tpu.memory_space<vmem>> -> memref<128xi32, #tpu.memory_space<vmem>>
        %dma_start3A_234 = arith.constant 0 : i32
        %dma_start3A_235 = arith.constant 0 : i32
        %dma_start3A_236 = tpu.memref_slice %arg6[%dma_start3A_234, %dma_start3A_235] : memref<10112x128xf32, #tpu.memory_space<vmem_shared>> -> memref<10112x128xf32, #tpu.memory_space<vmem_shared>>
        tpu.enqueue_indirect_dma source(%dma_start3A_230 : memref<128x128xf32, #tpu.memory_space<vmem>>) target(%dma_start3A_236 : memref<10112x128xf32, #tpu.memory_space<vmem_shared>>) offsets(%dma_start3A_233 : memref<128xi32, #tpu.memory_space<vmem>>) semaphore(%run_scoped3A_226 : memref<!tpu.dma_semaphore, #tpu.memory_space<semaphore_mem>>) {add = true}
        %dma_wait3A_237 = arith.constant 0 : i32
        %dma_wait3A_238 = arith.constant 0 : i32
        %dma_wait3A_239 = tpu.memref_slice %arg9[%run_scoped3A, %dma_wait3A_237, %dma_wait3A_238] : memref<2x128x128xf32, #tpu.memory_space<vmem>> -> memref<1x128x128xf32, #tpu.memory_space<vmem>>
        %dma_wait3A_240 = tpu.memref_squeeze %dma_wait3A_239 : memref<1x128x128xf32, #tpu.memory_space<vmem>> -> memref<128x128xf32, #tpu.memory_space<vmem>>
        %dma_wait3A_241 = arith.constant 0 : i32
        %dma_wait3A_242 = tpu.memref_slice %arg8[%add3A_160, %dma_wait3A_241] : memref<40x128xi32, #tpu.memory_space<vmem>> -> memref<1x128xi32, #tpu.memory_space<vmem>>
        %dma_wait3A_243 = tpu.memref_squeeze %dma_wait3A_242 : memref<1x128xi32, #tpu.memory_space<vmem>> -> memref<128xi32, #tpu.memory_space<vmem>>
        %dma_wait3A_244 = arith.constant 0 : i32
        %dma_wait3A_245 = arith.constant 0 : i32
        %dma_wait3A_246 = tpu.memref_slice %arg6[%dma_wait3A_244, %dma_wait3A_245] : memref<10112x128xf32, #tpu.memory_space<vmem_shared>> -> memref<10112x128xf32, #tpu.memory_space<vmem_shared>>
        tpu.wait_indirect_dma semaphore(%run_scoped3A_226 : memref<!tpu.dma_semaphore, #tpu.memory_space<semaphore_mem>>) src(%dma_wait3A_240 : memref<128x128xf32, #tpu.memory_space<vmem>>) dst(%dma_wait3A_246 : memref<10112x128xf32, #tpu.memory_space<vmem_shared>>)
        tpu.yield
      }) : () -> ()
      %add3A_176 = arith.constant 2 : i32
      %add3A_177 = arith.addi %add3A_160, %add3A_176 : i32
      %rem3A = arith.constant 40 : i32
      %rem3A_178 = arith.remsi %add3A_177, %rem3A : i32
      %dma_start3A_179 = arith.constant 0 : i32
      %dma_start3A_180 = arith.constant 0 : i32
      %dma_start3A_181 = arith.constant 0 : i32
      %dma_start3A_182 = tpu.memref_slice %arg9[%dma_start3A_179, %dma_start3A_180, %dma_start3A_181] : memref<2x128x128xf32, #tpu.memory_space<vmem>> -> memref<1x128x128xf32, #tpu.memory_space<vmem>>
      %dma_start3A_183 = tpu.memref_squeeze %dma_start3A_182 : memref<1x128x128xf32, #tpu.memory_space<vmem>> -> memref<128x128xf32, #tpu.memory_space<vmem>>
      %dma_start3A_184 = arith.constant 0 : i32
      %dma_start3A_185 = tpu.memref_slice %arg7[%rem3A_178, %dma_start3A_184] : memref<40x128xi32, #tpu.memory_space<vmem>> -> memref<1x128xi32, #tpu.memory_space<vmem>>
      %dma_start3A_186 = tpu.memref_squeeze %dma_start3A_185 : memref<1x128xi32, #tpu.memory_space<vmem>> -> memref<128xi32, #tpu.memory_space<vmem>>
      %dma_start3A_187 = arith.constant 0 : i32
      %dma_start3A_188 = arith.constant 0 : i32
      %dma_start3A_189 = tpu.memref_slice %arg2[%dma_start3A_187, %dma_start3A_188] : memref<10000x128xf32, #tpu.memory_space<hbm>> -> memref<10000x128xf32, #tpu.memory_space<hbm>>
      tpu.enqueue_indirect_dma source(%dma_start3A_189 : memref<10000x128xf32, #tpu.memory_space<hbm>>) target(%dma_start3A_183 : memref<128x128xf32, #tpu.memory_space<vmem>>) offsets(%dma_start3A_186 : memref<128xi32, #tpu.memory_space<vmem>>) semaphore(%arg11 : memref<!tpu.dma_semaphore, #tpu.memory_space<semaphore_mem>>)
      %mul3A_190 = arith.constant 2 : i32
      %mul3A_191 = arith.muli %mul3A_190, %scan3A_155 : i32
      %add3A_192 = arith.constant 1 : i32
      %add3A_193 = arith.addi %mul3A_191, %add3A_192 : i32
      %dma_wait3A_194 = arith.constant 1 : i32
      %dma_wait3A_195 = arith.constant 0 : i32
      %dma_wait3A_196 = arith.constant 0 : i32
      %dma_wait3A_197 = tpu.memref_slice %arg9[%dma_wait3A_194, %dma_wait3A_195, %dma_wait3A_196] : memref<2x128x128xf32, #tpu.memory_space<vmem>> -> memref<1x128x128xf32, #tpu.memory_space<vmem>>
      %dma_wait3A_198 = tpu.memref_squeeze %dma_wait3A_197 : memref<1x128x128xf32, #tpu.memory_space<vmem>> -> memref<128x128xf32, #tpu.memory_space<vmem>>
      %dma_wait3A_199 = arith.constant 0 : i32
      %dma_wait3A_200 = arith.constant 0 : i32
      %dma_wait3A_201 = tpu.memref_slice %arg2[%dma_wait3A_199, %dma_wait3A_200] : memref<10000x128xf32, #tpu.memory_space<hbm>> -> memref<128x128xf32, #tpu.memory_space<hbm>>
      %dma_wait3A_202 = arith.constant 0 : i32
      %dma_wait3A_203 = arith.constant 0 : i32
      %dma_wait3A_204 = tpu.memref_slice %arg9[%dma_wait3A_194, %dma_wait3A_202, %dma_wait3A_203] : memref<2x128x128xf32, #tpu.memory_space<vmem>> -> memref<1x128x128xf32, #tpu.memory_space<vmem>>
      %dma_wait3A_205 = tpu.memref_squeeze %dma_wait3A_204 : memref<1x128x128xf32, #tpu.memory_space<vmem>> -> memref<128x128xf32, #tpu.memory_space<vmem>>
      %dma_wait3A_206 = arith.constant 0 : i32
      %dma_wait3A_207 = arith.constant 0 : i32
      %dma_wait3A_208 = tpu.memref_slice %arg2[%dma_wait3A_206, %dma_wait3A_207] : memref<10000x128xf32, #tpu.memory_space<hbm>> -> memref<128x128xf32, #tpu.memory_space<hbm>>
      tpu.wait_dma2 semaphore(%arg12 : memref<!tpu.dma_semaphore, #tpu.memory_space<semaphore_mem>>) src(%dma_wait3A_208 : memref<128x128xf32, #tpu.memory_space<hbm>>) dst(%dma_wait3A_205 : memref<128x128xf32, #tpu.memory_space<vmem>>)
      %run_scoped3A_209 = arith.constant 1 : i32
      "tpu.region"() ({
        %run_scoped3A_226 = tpu.sem_alloc : memref<!tpu.dma_semaphore, #tpu.memory_space<semaphore_mem>>
        %dma_start3A_227 = arith.constant 0 : i32
        %dma_start3A_228 = arith.constant 0 : i32
        %dma_start3A_229 = tpu.memref_slice %arg9[%run_scoped3A_209, %dma_start3A_227, %dma_start3A_228] : memref<2x128x128xf32, #tpu.memory_space<vmem>> -> memref<1x128x128xf32, #tpu.memory_space<vmem>>
        %dma_start3A_230 = tpu.memref_squeeze %dma_start3A_229 : memref<1x128x128xf32, #tpu.memory_space<vmem>> -> memref<128x128xf32, #tpu.memory_space<vmem>>
        %dma_start3A_231 = arith.constant 0 : i32
        %dma_start3A_232 = tpu.memref_slice %arg8[%add3A_193, %dma_start3A_231] : memref<40x128xi32, #tpu.memory_space<vmem>> -> memref<1x128xi32, #tpu.memory_space<vmem>>
        %dma_start3A_233 = tpu.memref_squeeze %dma_start3A_232 : memref<1x128xi32, #tpu.memory_space<vmem>> -> memref<128xi32, #tpu.memory_space<vmem>>
        %dma_start3A_234 = arith.constant 0 : i32
        %dma_start3A_235 = arith.constant 0 : i32
        %dma_start3A_236 = tpu.memref_slice %arg6[%dma_start3A_234, %dma_start3A_235] : memref<10112x128xf32, #tpu.memory_space<vmem_shared>> -> memref<10112x128xf32, #tpu.memory_space<vmem_shared>>
        tpu.enqueue_indirect_dma source(%dma_start3A_230 : memref<128x128xf32, #tpu.memory_space<vmem>>) target(%dma_start3A_236 : memref<10112x128xf32, #tpu.memory_space<vmem_shared>>) offsets(%dma_start3A_233 : memref<128xi32, #tpu.memory_space<vmem>>) semaphore(%run_scoped3A_226 : memref<!tpu.dma_semaphore, #tpu.memory_space<semaphore_mem>>) {add = true}
        %dma_wait3A_237 = arith.constant 0 : i32
        %dma_wait3A_238 = arith.constant 0 : i32
        %dma_wait3A_239 = tpu.memref_slice %arg9[%run_scoped3A_209, %dma_wait3A_237, %dma_wait3A_238] : memref<2x128x128xf32, #tpu.memory_space<vmem>> -> memref<1x128x128xf32, #tpu.memory_space<vmem>>
        %dma_wait3A_240 = tpu.memref_squeeze %dma_wait3A_239 : memref<1x128x128xf32, #tpu.memory_space<vmem>> -> memref<128x128xf32, #tpu.memory_space<vmem>>
        %dma_wait3A_241 = arith.constant 0 : i32
        %dma_wait3A_242 = tpu.memref_slice %arg8[%add3A_193, %dma_wait3A_241] : memref<40x128xi32, #tpu.memory_space<vmem>> -> memref<1x128xi32, #tpu.memory_space<vmem>>
        %dma_wait3A_243 = tpu.memref_squeeze %dma_wait3A_242 : memref<1x128xi32, #tpu.memory_space<vmem>> -> memref<128xi32, #tpu.memory_space<vmem>>
        %dma_wait3A_244 = arith.constant 0 : i32
        %dma_wait3A_245 = arith.constant 0 : i32
        %dma_wait3A_246 = tpu.memref_slice %arg6[%dma_wait3A_244, %dma_wait3A_245] : memref<10112x128xf32, #tpu.memory_space<vmem_shared>> -> memref<10112x128xf32, #tpu.memory_space<vmem_shared>>
        tpu.wait_indirect_dma semaphore(%run_scoped3A_226 : memref<!tpu.dma_semaphore, #tpu.memory_space<semaphore_mem>>) src(%dma_wait3A_240 : memref<128x128xf32, #tpu.memory_space<vmem>>) dst(%dma_wait3A_246 : memref<10112x128xf32, #tpu.memory_space<vmem_shared>>)
        tpu.yield
      }) : () -> ()
      %add3A_210 = arith.constant 2 : i32
      %add3A_211 = arith.addi %add3A_193, %add3A_210 : i32
      %rem3A_212 = arith.constant 40 : i32
      %rem3A_213 = arith.remsi %add3A_211, %rem3A_212 : i32
      %dma_start3A_214 = arith.constant 1 : i32
      %dma_start3A_215 = arith.constant 0 : i32
      %dma_start3A_216 = arith.constant 0 : i32
      %dma_start3A_217 = tpu.memref_slice %arg9[%dma_start3A_214, %dma_start3A_215, %dma_start3A_216] : memref<2x128x128xf32, #tpu.memory_space<vmem>> -> memref<1x128x128xf32, #tpu.memory_space<vmem>>
      %dma_start3A_218 = tpu.memref_squeeze %dma_start3A_217 : memref<1x128x128xf32, #tpu.memory_space<vmem>> -> memref<128x128xf32, #tpu.memory_space<vmem>>
      %dma_start3A_219 = arith.constant 0 : i32
      %dma_start3A_220 = tpu.memref_slice %arg7[%rem3A_213, %dma_start3A_219] : memref<40x128xi32, #tpu.memory_space<vmem>> -> memref<1x128xi32, #tpu.memory_space<vmem>>
      %dma_start3A_221 = tpu.memref_squeeze %dma_start3A_220 : memref<1x128xi32, #tpu.memory_space<vmem>> -> memref<128xi32, #tpu.memory_space<vmem>>
      %dma_start3A_222 = arith.constant 0 : i32
      %dma_start3A_223 = arith.constant 0 : i32
      %dma_start3A_224 = tpu.memref_slice %arg2[%dma_start3A_222, %dma_start3A_223] : memref<10000x128xf32, #tpu.memory_space<hbm>> -> memref<10000x128xf32, #tpu.memory_space<hbm>>
      tpu.enqueue_indirect_dma source(%dma_start3A_224 : memref<10000x128xf32, #tpu.memory_space<hbm>>) target(%dma_start3A_218 : memref<128x128xf32, #tpu.memory_space<vmem>>) offsets(%dma_start3A_221 : memref<128xi32, #tpu.memory_space<vmem>>) semaphore(%arg12 : memref<!tpu.dma_semaphore, #tpu.memory_space<semaphore_mem>>)
      %scan3A_225 = arith.constant 0 : i32
      scf.yield %scan3A_225 : i32
    }
    %scan3A_51 = arith.constant 20 : i32
    %dma_wait3A = arith.constant 0 : i32
    %dma_wait3A_52 = arith.constant 0 : i32
    %dma_wait3A_53 = arith.constant 0 : i32
    %dma_wait3A_54 = tpu.memref_slice %arg9[%dma_wait3A, %dma_wait3A_52, %dma_wait3A_53] : memref<2x128x128xf32, #tpu.memory_space<vmem>> -> memref<1x128x128xf32, #tpu.memory_space<vmem>>
    %dma_wait3A_55 = tpu.memref_squeeze %dma_wait3A_54 : memref<1x128x128xf32, #tpu.memory_space<vmem>> -> memref<128x128xf32, #tpu.memory_space<vmem>>
    %dma_wait3A_56 = arith.constant 0 : i32
    %dma_wait3A_57 = arith.constant 0 : i32
    %dma_wait3A_58 = tpu.memref_slice %arg2[%dma_wait3A_56, %dma_wait3A_57] : memref<10000x128xf32, #tpu.memory_space<hbm>> -> memref<128x128xf32, #tpu.memory_space<hbm>>
    %dma_wait3A_59 = arith.constant 0 : i32
    %dma_wait3A_60 = arith.constant 0 : i32
    %dma_wait3A_61 = tpu.memref_slice %arg9[%dma_wait3A, %dma_wait3A_59, %dma_wait3A_60] : memref<2x128x128xf32, #tpu.memory_space<vmem>> -> memref<1x128x128xf32, #tpu.memory_space<vmem>>
    %dma_wait3A_62 = tpu.memref_squeeze %dma_wait3A_61 : memref<1x128x128xf32, #tpu.memory_space<vmem>> -> memref<128x128xf32, #tpu.memory_space<vmem>>
    %dma_wait3A_63 = arith.constant 0 : i32
    %dma_wait3A_64 = arith.constant 0 : i32
    %dma_wait3A_65 = tpu.memref_slice %arg2[%dma_wait3A_63, %dma_wait3A_64] : memref<10000x128xf32, #tpu.memory_space<hbm>> -> memref<128x128xf32, #tpu.memory_space<hbm>>
    tpu.wait_dma2 semaphore(%arg11 : memref<!tpu.dma_semaphore, #tpu.memory_space<semaphore_mem>>) src(%dma_wait3A_65 : memref<128x128xf32, #tpu.memory_space<hbm>>) dst(%dma_wait3A_62 : memref<128x128xf32, #tpu.memory_space<vmem>>)
    %dma_wait3A_66 = arith.constant 1 : i32
    %dma_wait3A_67 = arith.constant 0 : i32
    %dma_wait3A_68 = arith.constant 0 : i32
    %dma_wait3A_69 = tpu.memref_slice %arg9[%dma_wait3A_66, %dma_wait3A_67, %dma_wait3A_68] : memref<2x128x128xf32, #tpu.memory_space<vmem>> -> memref<1x128x128xf32, #tpu.memory_space<vmem>>
    %dma_wait3A_70 = tpu.memref_squeeze %dma_wait3A_69 : memref<1x128x128xf32, #tpu.memory_space<vmem>> -> memref<128x128xf32, #tpu.memory_space<vmem>>
    %dma_wait3A_71 = arith.constant 0 : i32
    %dma_wait3A_72 = arith.constant 0 : i32
    %dma_wait3A_73 = tpu.memref_slice %arg2[%dma_wait3A_71, %dma_wait3A_72] : memref<10000x128xf32, #tpu.memory_space<hbm>> -> memref<128x128xf32, #tpu.memory_space<hbm>>
    %dma_wait3A_74 = arith.constant 0 : i32
    %dma_wait3A_75 = arith.constant 0 : i32
    %dma_wait3A_76 = tpu.memref_slice %arg9[%dma_wait3A_66, %dma_wait3A_74, %dma_wait3A_75] : memref<2x128x128xf32, #tpu.memory_space<vmem>> -> memref<1x128x128xf32, #tpu.memory_space<vmem>>
    %dma_wait3A_77 = tpu.memref_squeeze %dma_wait3A_76 : memref<1x128x128xf32, #tpu.memory_space<vmem>> -> memref<128x128xf32, #tpu.memory_space<vmem>>
    %dma_wait3A_78 = arith.constant 0 : i32
    %dma_wait3A_79 = arith.constant 0 : i32
    %dma_wait3A_80 = tpu.memref_slice %arg2[%dma_wait3A_78, %dma_wait3A_79] : memref<10000x128xf32, #tpu.memory_space<hbm>> -> memref<128x128xf32, #tpu.memory_space<hbm>>
    tpu.wait_dma2 semaphore(%arg12 : memref<!tpu.dma_semaphore, #tpu.memory_space<semaphore_mem>>) src(%dma_wait3A_80 : memref<128x128xf32, #tpu.memory_space<hbm>>) dst(%dma_wait3A_77 : memref<128x128xf32, #tpu.memory_space<vmem>>)
    %mul3A_81 = arith.constant 80 : i32
    %mul3A_82 = arith.muli %add3A, %mul3A_81 : i32
    %add3A_83 = arith.constant 40 : i32
    %add3A_84 = arith.addi %mul3A_82, %add3A_83 : i32
    "tpu.region"() ({
      %run_scoped3A = tpu.sem_alloc : memref<!tpu.dma_semaphore, #tpu.memory_space<semaphore_mem>>
      %dma_start3A_155 = arith.constant 0 : i32
      %dma_start3A_156 = tpu.memref_slice %arg3[%add3A_84, %dma_start3A_155] : memref<2560x128xi32, #tpu.memory_space<hbm>> -> memref<40x128xi32, #tpu.memory_space<hbm>>
      %dma_start3A_157 = arith.constant 0 : i32
      %dma_start3A_158 = tpu.memref_slice %arg3[%add3A_84, %dma_start3A_157] : memref<2560x128xi32, #tpu.memory_space<hbm>> -> memref<40x128xi32, #tpu.memory_space<hbm>>
      tpu.enqueue_dma source(%dma_start3A_158 : memref<40x128xi32, #tpu.memory_space<hbm>>) target(%arg7 : memref<40x128xi32, #tpu.memory_space<vmem>>) target_semaphore(%run_scoped3A : memref<!tpu.dma_semaphore, #tpu.memory_space<semaphore_mem>>)
      %dma_wait3A_159 = arith.constant 0 : i32
      %dma_wait3A_160 = tpu.memref_slice %arg3[%add3A_84, %dma_wait3A_159] : memref<2560x128xi32, #tpu.memory_space<hbm>> -> memref<40x128xi32, #tpu.memory_space<hbm>>
      %dma_wait3A_161 = arith.constant 0 : i32
      %dma_wait3A_162 = tpu.memref_slice %arg3[%add3A_84, %dma_wait3A_161] : memref<2560x128xi32, #tpu.memory_space<hbm>> -> memref<40x128xi32, #tpu.memory_space<hbm>>
      tpu.wait_dma2 semaphore(%run_scoped3A : memref<!tpu.dma_semaphore, #tpu.memory_space<semaphore_mem>>) src(%dma_wait3A_162 : memref<40x128xi32, #tpu.memory_space<hbm>>) dst(%arg7 : memref<40x128xi32, #tpu.memory_space<vmem>>)
      tpu.yield
    }) : () -> ()
    %mul3A_85 = arith.constant 80 : i32
    %mul3A_86 = arith.muli %add3A, %mul3A_85 : i32
    %add3A_87 = arith.constant 40 : i32
    %add3A_88 = arith.addi %mul3A_86, %add3A_87 : i32
    "tpu.region"() ({
      %run_scoped3A = tpu.sem_alloc : memref<!tpu.dma_semaphore, #tpu.memory_space<semaphore_mem>>
      %dma_start3A_155 = arith.constant 0 : i32
      %dma_start3A_156 = tpu.memref_slice %arg4[%add3A_88, %dma_start3A_155] : memref<2560x128xi32, #tpu.memory_space<hbm>> -> memref<40x128xi32, #tpu.memory_space<hbm>>
      %dma_start3A_157 = arith.constant 0 : i32
      %dma_start3A_158 = tpu.memref_slice %arg4[%add3A_88, %dma_start3A_157] : memref<2560x128xi32, #tpu.memory_space<hbm>> -> memref<40x128xi32, #tpu.memory_space<hbm>>
      tpu.enqueue_dma source(%dma_start3A_158 : memref<40x128xi32, #tpu.memory_space<hbm>>) target(%arg8 : memref<40x128xi32, #tpu.memory_space<vmem>>) target_semaphore(%run_scoped3A : memref<!tpu.dma_semaphore, #tpu.memory_space<semaphore_mem>>)
      %dma_wait3A_159 = arith.constant 0 : i32
      %dma_wait3A_160 = tpu.memref_slice %arg4[%add3A_88, %dma_wait3A_159] : memref<2560x128xi32, #tpu.memory_space<hbm>> -> memref<40x128xi32, #tpu.memory_space<hbm>>
      %dma_wait3A_161 = arith.constant 0 : i32
      %dma_wait3A_162 = tpu.memref_slice %arg4[%add3A_88, %dma_wait3A_161] : memref<2560x128xi32, #tpu.memory_space<hbm>> -> memref<40x128xi32, #tpu.memory_space<hbm>>
      tpu.wait_dma2 semaphore(%run_scoped3A : memref<!tpu.dma_semaphore, #tpu.memory_space<semaphore_mem>>) src(%dma_wait3A_162 : memref<40x128xi32, #tpu.memory_space<hbm>>) dst(%arg8 : memref<40x128xi32, #tpu.memory_space<vmem>>)
      tpu.yield
    }) : () -> ()
    %dma_start3A_89 = arith.constant 0 : i32
    %dma_start3A_90 = arith.constant 0 : i32
    %dma_start3A_91 = arith.constant 0 : i32
    %dma_start3A_92 = arith.constant 0 : i32
    %dma_start3A_93 = tpu.memref_slice %arg9[%dma_start3A_90, %dma_start3A_91, %dma_start3A_92] : memref<2x128x128xf32, #tpu.memory_space<vmem>> -> memref<1x128x128xf32, #tpu.memory_space<vmem>>
    %dma_start3A_94 = tpu.memref_squeeze %dma_start3A_93 : memref<1x128x128xf32, #tpu.memory_space<vmem>> -> memref<128x128xf32, #tpu.memory_space<vmem>>
    %dma_start3A_95 = arith.constant 0 : i32
    %dma_start3A_96 = tpu.memref_slice %arg7[%dma_start3A_89, %dma_start3A_95] : memref<40x128xi32, #tpu.memory_space<vmem>> -> memref<1x128xi32, #tpu.memory_space<vmem>>
    %dma_start3A_97 = tpu.memref_squeeze %dma_start3A_96 : memref<1x128xi32, #tpu.memory_space<vmem>> -> memref<128xi32, #tpu.memory_space<vmem>>
    %dma_start3A_98 = arith.constant 0 : i32
    %dma_start3A_99 = arith.constant 0 : i32
    %dma_start3A_100 = tpu.memref_slice %arg2[%dma_start3A_98, %dma_start3A_99] : memref<10000x128xf32, #tpu.memory_space<hbm>> -> memref<10000x128xf32, #tpu.memory_space<hbm>>
    tpu.enqueue_indirect_dma source(%dma_start3A_100 : memref<10000x128xf32, #tpu.memory_space<hbm>>) target(%dma_start3A_94 : memref<128x128xf32, #tpu.memory_space<vmem>>) offsets(%dma_start3A_97 : memref<128xi32, #tpu.memory_space<vmem>>) semaphore(%arg11 : memref<!tpu.dma_semaphore, #tpu.memory_space<semaphore_mem>>)
    %dma_start3A_101 = arith.constant 1 : i32
    %dma_start3A_102 = arith.constant 1 : i32
    %dma_start3A_103 = arith.constant 0 : i32
    %dma_start3A_104 = arith.constant 0 : i32
    %dma_start3A_105 = tpu.memref_slice %arg9[%dma_start3A_102, %dma_start3A_103, %dma_start3A_104] : memref<2x128x128xf32, #tpu.memory_space<vmem>> -> memref<1x128x128xf32, #tpu.memory_space<vmem>>
    %dma_start3A_106 = tpu.memref_squeeze %dma_start3A_105 : memref<1x128x128xf32, #tpu.memory_space<vmem>> -> memref<128x128xf32, #tpu.memory_space<vmem>>
    %dma_start3A_107 = arith.constant 0 : i32
    %dma_start3A_108 = tpu.memref_slice %arg7[%dma_start3A_101, %dma_start3A_107] : memref<40x128xi32, #tpu.memory_space<vmem>> -> memref<1x128xi32, #tpu.memory_space<vmem>>
    %dma_start3A_109 = tpu.memref_squeeze %dma_start3A_108 : memref<1x128xi32, #tpu.memory_space<vmem>> -> memref<128xi32, #tpu.memory_space<vmem>>
    %dma_start3A_110 = arith.constant 0 : i32
    %dma_start3A_111 = arith.constant 0 : i32
    %dma_start3A_112 = tpu.memref_slice %arg2[%dma_start3A_110, %dma_start3A_111] : memref<10000x128xf32, #tpu.memory_space<hbm>> -> memref<10000x128xf32, #tpu.memory_space<hbm>>
    tpu.enqueue_indirect_dma source(%dma_start3A_112 : memref<10000x128xf32, #tpu.memory_space<hbm>>) target(%dma_start3A_106 : memref<128x128xf32, #tpu.memory_space<vmem>>) offsets(%dma_start3A_109 : memref<128xi32, #tpu.memory_space<vmem>>) semaphore(%arg12 : memref<!tpu.dma_semaphore, #tpu.memory_space<semaphore_mem>>)
    %scan3A_113 = arith.constant 0 : i32
    %scan3A_114 = arith.constant 0 : i32
    %scan3A_115 = arith.constant 20 : i32
    %scan3A_116 = arith.addi %scan3A_114, %scan3A_115 : i32
    %scan3A_117 = arith.constant 1 : i32
    %scan3A_118 = scf.for %scan3A_155 = %scan3A_114 to %scan3A_116 step %scan3A_117 iter_args(%scan3A_156 = %scan3A_113) -> (i32)  : i32 {
      %mul3A_157 = arith.constant 2 : i32
      %mul3A_158 = arith.muli %mul3A_157, %scan3A_155 : i32
      %add3A_159 = arith.constant 0 : i32
      %add3A_160 = arith.addi %mul3A_158, %add3A_159 : i32
      %dma_wait3A_161 = arith.constant 0 : i32
      %dma_wait3A_162 = arith.constant 0 : i32
      %dma_wait3A_163 = arith.constant 0 : i32
      %dma_wait3A_164 = tpu.memref_slice %arg9[%dma_wait3A_161, %dma_wait3A_162, %dma_wait3A_163] : memref<2x128x128xf32, #tpu.memory_space<vmem>> -> memref<1x128x128xf32, #tpu.memory_space<vmem>>
      %dma_wait3A_165 = tpu.memref_squeeze %dma_wait3A_164 : memref<1x128x128xf32, #tpu.memory_space<vmem>> -> memref<128x128xf32, #tpu.memory_space<vmem>>
      %dma_wait3A_166 = arith.constant 0 : i32
      %dma_wait3A_167 = arith.constant 0 : i32
      %dma_wait3A_168 = tpu.memref_slice %arg2[%dma_wait3A_166, %dma_wait3A_167] : memref<10000x128xf32, #tpu.memory_space<hbm>> -> memref<128x128xf32, #tpu.memory_space<hbm>>
      %dma_wait3A_169 = arith.constant 0 : i32
      %dma_wait3A_170 = arith.constant 0 : i32
      %dma_wait3A_171 = tpu.memref_slice %arg9[%dma_wait3A_161, %dma_wait3A_169, %dma_wait3A_170] : memref<2x128x128xf32, #tpu.memory_space<vmem>> -> memref<1x128x128xf32, #tpu.memory_space<vmem>>
      %dma_wait3A_172 = tpu.memref_squeeze %dma_wait3A_171 : memref<1x128x128xf32, #tpu.memory_space<vmem>> -> memref<128x128xf32, #tpu.memory_space<vmem>>
      %dma_wait3A_173 = arith.constant 0 : i32
      %dma_wait3A_174 = arith.constant 0 : i32
      %dma_wait3A_175 = tpu.memref_slice %arg2[%dma_wait3A_173, %dma_wait3A_174] : memref<10000x128xf32, #tpu.memory_space<hbm>> -> memref<128x128xf32, #tpu.memory_space<hbm>>
      tpu.wait_dma2 semaphore(%arg11 : memref<!tpu.dma_semaphore, #tpu.memory_space<semaphore_mem>>) src(%dma_wait3A_175 : memref<128x128xf32, #tpu.memory_space<hbm>>) dst(%dma_wait3A_172 : memref<128x128xf32, #tpu.memory_space<vmem>>)
      %run_scoped3A = arith.constant 0 : i32
      "tpu.region"() ({
        %run_scoped3A_226 = tpu.sem_alloc : memref<!tpu.dma_semaphore, #tpu.memory_space<semaphore_mem>>
        %dma_start3A_227 = arith.constant 0 : i32
        %dma_start3A_228 = arith.constant 0 : i32
        %dma_start3A_229 = tpu.memref_slice %arg9[%run_scoped3A, %dma_start3A_227, %dma_start3A_228] : memref<2x128x128xf32, #tpu.memory_space<vmem>> -> memref<1x128x128xf32, #tpu.memory_space<vmem>>
        %dma_start3A_230 = tpu.memref_squeeze %dma_start3A_229 : memref<1x128x128xf32, #tpu.memory_space<vmem>> -> memref<128x128xf32, #tpu.memory_space<vmem>>
        %dma_start3A_231 = arith.constant 0 : i32
        %dma_start3A_232 = tpu.memref_slice %arg8[%add3A_160, %dma_start3A_231] : memref<40x128xi32, #tpu.memory_space<vmem>> -> memref<1x128xi32, #tpu.memory_space<vmem>>
        %dma_start3A_233 = tpu.memref_squeeze %dma_start3A_232 : memref<1x128xi32, #tpu.memory_space<vmem>> -> memref<128xi32, #tpu.memory_space<vmem>>
        %dma_start3A_234 = arith.constant 0 : i32
        %dma_start3A_235 = arith.constant 0 : i32
        %dma_start3A_236 = tpu.memref_slice %arg6[%dma_start3A_234, %dma_start3A_235] : memref<10112x128xf32, #tpu.memory_space<vmem_shared>> -> memref<10112x128xf32, #tpu.memory_space<vmem_shared>>
        tpu.enqueue_indirect_dma source(%dma_start3A_230 : memref<128x128xf32, #tpu.memory_space<vmem>>) target(%dma_start3A_236 : memref<10112x128xf32, #tpu.memory_space<vmem_shared>>) offsets(%dma_start3A_233 : memref<128xi32, #tpu.memory_space<vmem>>) semaphore(%run_scoped3A_226 : memref<!tpu.dma_semaphore, #tpu.memory_space<semaphore_mem>>) {add = true}
        %dma_wait3A_237 = arith.constant 0 : i32
        %dma_wait3A_238 = arith.constant 0 : i32
        %dma_wait3A_239 = tpu.memref_slice %arg9[%run_scoped3A, %dma_wait3A_237, %dma_wait3A_238] : memref<2x128x128xf32, #tpu.memory_space<vmem>> -> memref<1x128x128xf32, #tpu.memory_space<vmem>>
        %dma_wait3A_240 = tpu.memref_squeeze %dma_wait3A_239 : memref<1x128x128xf32, #tpu.memory_space<vmem>> -> memref<128x128xf32, #tpu.memory_space<vmem>>
        %dma_wait3A_241 = arith.constant 0 : i32
        %dma_wait3A_242 = tpu.memref_slice %arg8[%add3A_160, %dma_wait3A_241] : memref<40x128xi32, #tpu.memory_space<vmem>> -> memref<1x128xi32, #tpu.memory_space<vmem>>
        %dma_wait3A_243 = tpu.memref_squeeze %dma_wait3A_242 : memref<1x128xi32, #tpu.memory_space<vmem>> -> memref<128xi32, #tpu.memory_space<vmem>>
        %dma_wait3A_244 = arith.constant 0 : i32
        %dma_wait3A_245 = arith.constant 0 : i32
        %dma_wait3A_246 = tpu.memref_slice %arg6[%dma_wait3A_244, %dma_wait3A_245] : memref<10112x128xf32, #tpu.memory_space<vmem_shared>> -> memref<10112x128xf32, #tpu.memory_space<vmem_shared>>
        tpu.wait_indirect_dma semaphore(%run_scoped3A_226 : memref<!tpu.dma_semaphore, #tpu.memory_space<semaphore_mem>>) src(%dma_wait3A_240 : memref<128x128xf32, #tpu.memory_space<vmem>>) dst(%dma_wait3A_246 : memref<10112x128xf32, #tpu.memory_space<vmem_shared>>)
        tpu.yield
      }) : () -> ()
      %add3A_176 = arith.constant 2 : i32
      %add3A_177 = arith.addi %add3A_160, %add3A_176 : i32
      %rem3A = arith.constant 40 : i32
      %rem3A_178 = arith.remsi %add3A_177, %rem3A : i32
      %dma_start3A_179 = arith.constant 0 : i32
      %dma_start3A_180 = arith.constant 0 : i32
      %dma_start3A_181 = arith.constant 0 : i32
      %dma_start3A_182 = tpu.memref_slice %arg9[%dma_start3A_179, %dma_start3A_180, %dma_start3A_181] : memref<2x128x128xf32, #tpu.memory_space<vmem>> -> memref<1x128x128xf32, #tpu.memory_space<vmem>>
      %dma_start3A_183 = tpu.memref_squeeze %dma_start3A_182 : memref<1x128x128xf32, #tpu.memory_space<vmem>> -> memref<128x128xf32, #tpu.memory_space<vmem>>
      %dma_start3A_184 = arith.constant 0 : i32
      %dma_start3A_185 = tpu.memref_slice %arg7[%rem3A_178, %dma_start3A_184] : memref<40x128xi32, #tpu.memory_space<vmem>> -> memref<1x128xi32, #tpu.memory_space<vmem>>
      %dma_start3A_186 = tpu.memref_squeeze %dma_start3A_185 : memref<1x128xi32, #tpu.memory_space<vmem>> -> memref<128xi32, #tpu.memory_space<vmem>>
      %dma_start3A_187 = arith.constant 0 : i32
      %dma_start3A_188 = arith.constant 0 : i32
      %dma_start3A_189 = tpu.memref_slice %arg2[%dma_start3A_187, %dma_start3A_188] : memref<10000x128xf32, #tpu.memory_space<hbm>> -> memref<10000x128xf32, #tpu.memory_space<hbm>>
      tpu.enqueue_indirect_dma source(%dma_start3A_189 : memref<10000x128xf32, #tpu.memory_space<hbm>>) target(%dma_start3A_183 : memref<128x128xf32, #tpu.memory_space<vmem>>) offsets(%dma_start3A_186 : memref<128xi32, #tpu.memory_space<vmem>>) semaphore(%arg11 : memref<!tpu.dma_semaphore, #tpu.memory_space<semaphore_mem>>)
      %mul3A_190 = arith.constant 2 : i32
      %mul3A_191 = arith.muli %mul3A_190, %scan3A_155 : i32
      %add3A_192 = arith.constant 1 : i32
      %add3A_193 = arith.addi %mul3A_191, %add3A_192 : i32
      %dma_wait3A_194 = arith.constant 1 : i32
      %dma_wait3A_195 = arith.constant 0 : i32
      %dma_wait3A_196 = arith.constant 0 : i32
      %dma_wait3A_197 = tpu.memref_slice %arg9[%dma_wait3A_194, %dma_wait3A_195, %dma_wait3A_196] : memref<2x128x128xf32, #tpu.memory_space<vmem>> -> memref<1x128x128xf32, #tpu.memory_space<vmem>>
      %dma_wait3A_198 = tpu.memref_squeeze %dma_wait3A_197 : memref<1x128x128xf32, #tpu.memory_space<vmem>> -> memref<128x128xf32, #tpu.memory_space<vmem>>
      %dma_wait3A_199 = arith.constant 0 : i32
      %dma_wait3A_200 = arith.constant 0 : i32
      %dma_wait3A_201 = tpu.memref_slice %arg2[%dma_wait3A_199, %dma_wait3A_200] : memref<10000x128xf32, #tpu.memory_space<hbm>> -> memref<128x128xf32, #tpu.memory_space<hbm>>
      %dma_wait3A_202 = arith.constant 0 : i32
      %dma_wait3A_203 = arith.constant 0 : i32
      %dma_wait3A_204 = tpu.memref_slice %arg9[%dma_wait3A_194, %dma_wait3A_202, %dma_wait3A_203] : memref<2x128x128xf32, #tpu.memory_space<vmem>> -> memref<1x128x128xf32, #tpu.memory_space<vmem>>
      %dma_wait3A_205 = tpu.memref_squeeze %dma_wait3A_204 : memref<1x128x128xf32, #tpu.memory_space<vmem>> -> memref<128x128xf32, #tpu.memory_space<vmem>>
      %dma_wait3A_206 = arith.constant 0 : i32
      %dma_wait3A_207 = arith.constant 0 : i32
      %dma_wait3A_208 = tpu.memref_slice %arg2[%dma_wait3A_206, %dma_wait3A_207] : memref<10000x128xf32, #tpu.memory_space<hbm>> -> memref<128x128xf32, #tpu.memory_space<hbm>>
      tpu.wait_dma2 semaphore(%arg12 : memref<!tpu.dma_semaphore, #tpu.memory_space<semaphore_mem>>) src(%dma_wait3A_208 : memref<128x128xf32, #tpu.memory_space<hbm>>) dst(%dma_wait3A_205 : memref<128x128xf32, #tpu.memory_space<vmem>>)
      %run_scoped3A_209 = arith.constant 1 : i32
      "tpu.region"() ({
        %run_scoped3A_226 = tpu.sem_alloc : memref<!tpu.dma_semaphore, #tpu.memory_space<semaphore_mem>>
        %dma_start3A_227 = arith.constant 0 : i32
        %dma_start3A_228 = arith.constant 0 : i32
        %dma_start3A_229 = tpu.memref_slice %arg9[%run_scoped3A_209, %dma_start3A_227, %dma_start3A_228] : memref<2x128x128xf32, #tpu.memory_space<vmem>> -> memref<1x128x128xf32, #tpu.memory_space<vmem>>
        %dma_start3A_230 = tpu.memref_squeeze %dma_start3A_229 : memref<1x128x128xf32, #tpu.memory_space<vmem>> -> memref<128x128xf32, #tpu.memory_space<vmem>>
        %dma_start3A_231 = arith.constant 0 : i32
        %dma_start3A_232 = tpu.memref_slice %arg8[%add3A_193, %dma_start3A_231] : memref<40x128xi32, #tpu.memory_space<vmem>> -> memref<1x128xi32, #tpu.memory_space<vmem>>
        %dma_start3A_233 = tpu.memref_squeeze %dma_start3A_232 : memref<1x128xi32, #tpu.memory_space<vmem>> -> memref<128xi32, #tpu.memory_space<vmem>>
        %dma_start3A_234 = arith.constant 0 : i32
        %dma_start3A_235 = arith.constant 0 : i32
        %dma_start3A_236 = tpu.memref_slice %arg6[%dma_start3A_234, %dma_start3A_235] : memref<10112x128xf32, #tpu.memory_space<vmem_shared>> -> memref<10112x128xf32, #tpu.memory_space<vmem_shared>>
        tpu.enqueue_indirect_dma source(%dma_start3A_230 : memref<128x128xf32, #tpu.memory_space<vmem>>) target(%dma_start3A_236 : memref<10112x128xf32, #tpu.memory_space<vmem_shared>>) offsets(%dma_start3A_233 : memref<128xi32, #tpu.memory_space<vmem>>) semaphore(%run_scoped3A_226 : memref<!tpu.dma_semaphore, #tpu.memory_space<semaphore_mem>>) {add = true}
        %dma_wait3A_237 = arith.constant 0 : i32
        %dma_wait3A_238 = arith.constant 0 : i32
        %dma_wait3A_239 = tpu.memref_slice %arg9[%run_scoped3A_209, %dma_wait3A_237, %dma_wait3A_238] : memref<2x128x128xf32, #tpu.memory_space<vmem>> -> memref<1x128x128xf32, #tpu.memory_space<vmem>>
        %dma_wait3A_240 = tpu.memref_squeeze %dma_wait3A_239 : memref<1x128x128xf32, #tpu.memory_space<vmem>> -> memref<128x128xf32, #tpu.memory_space<vmem>>
        %dma_wait3A_241 = arith.constant 0 : i32
        %dma_wait3A_242 = tpu.memref_slice %arg8[%add3A_193, %dma_wait3A_241] : memref<40x128xi32, #tpu.memory_space<vmem>> -> memref<1x128xi32, #tpu.memory_space<vmem>>
        %dma_wait3A_243 = tpu.memref_squeeze %dma_wait3A_242 : memref<1x128xi32, #tpu.memory_space<vmem>> -> memref<128xi32, #tpu.memory_space<vmem>>
        %dma_wait3A_244 = arith.constant 0 : i32
        %dma_wait3A_245 = arith.constant 0 : i32
        %dma_wait3A_246 = tpu.memref_slice %arg6[%dma_wait3A_244, %dma_wait3A_245] : memref<10112x128xf32, #tpu.memory_space<vmem_shared>> -> memref<10112x128xf32, #tpu.memory_space<vmem_shared>>
        tpu.wait_indirect_dma semaphore(%run_scoped3A_226 : memref<!tpu.dma_semaphore, #tpu.memory_space<semaphore_mem>>) src(%dma_wait3A_240 : memref<128x128xf32, #tpu.memory_space<vmem>>) dst(%dma_wait3A_246 : memref<10112x128xf32, #tpu.memory_space<vmem_shared>>)
        tpu.yield
      }) : () -> ()
      %add3A_210 = arith.constant 2 : i32
      %add3A_211 = arith.addi %add3A_193, %add3A_210 : i32
      %rem3A_212 = arith.constant 40 : i32
      %rem3A_213 = arith.remsi %add3A_211, %rem3A_212 : i32
      %dma_start3A_214 = arith.constant 1 : i32
      %dma_start3A_215 = arith.constant 0 : i32
      %dma_start3A_216 = arith.constant 0 : i32
      %dma_start3A_217 = tpu.memref_slice %arg9[%dma_start3A_214, %dma_start3A_215, %dma_start3A_216] : memref<2x128x128xf32, #tpu.memory_space<vmem>> -> memref<1x128x128xf32, #tpu.memory_space<vmem>>
      %dma_start3A_218 = tpu.memref_squeeze %dma_start3A_217 : memref<1x128x128xf32, #tpu.memory_space<vmem>> -> memref<128x128xf32, #tpu.memory_space<vmem>>
      %dma_start3A_219 = arith.constant 0 : i32
      %dma_start3A_220 = tpu.memref_slice %arg7[%rem3A_213, %dma_start3A_219] : memref<40x128xi32, #tpu.memory_space<vmem>> -> memref<1x128xi32, #tpu.memory_space<vmem>>
      %dma_start3A_221 = tpu.memref_squeeze %dma_start3A_220 : memref<1x128xi32, #tpu.memory_space<vmem>> -> memref<128xi32, #tpu.memory_space<vmem>>
      %dma_start3A_222 = arith.constant 0 : i32
      %dma_start3A_223 = arith.constant 0 : i32
      %dma_start3A_224 = tpu.memref_slice %arg2[%dma_start3A_222, %dma_start3A_223] : memref<10000x128xf32, #tpu.memory_space<hbm>> -> memref<10000x128xf32, #tpu.memory_space<hbm>>
      tpu.enqueue_indirect_dma source(%dma_start3A_224 : memref<10000x128xf32, #tpu.memory_space<hbm>>) target(%dma_start3A_218 : memref<128x128xf32, #tpu.memory_space<vmem>>) offsets(%dma_start3A_221 : memref<128xi32, #tpu.memory_space<vmem>>) semaphore(%arg12 : memref<!tpu.dma_semaphore, #tpu.memory_space<semaphore_mem>>)
      %scan3A_225 = arith.constant 0 : i32
      scf.yield %scan3A_225 : i32
    }
    %scan3A_119 = arith.constant 20 : i32
    %dma_wait3A_120 = arith.constant 0 : i32
    %dma_wait3A_121 = arith.constant 0 : i32
    %dma_wait3A_122 = arith.constant 0 : i32
    %dma_wait3A_123 = tpu.memref_slice %arg9[%dma_wait3A_120, %dma_wait3A_121, %dma_wait3A_122] : memref<2x128x128xf32, #tpu.memory_space<vmem>> -> memref<1x128x128xf32, #tpu.memory_space<vmem>>
    %dma_wait3A_124 = tpu.memref_squeeze %dma_wait3A_123 : memref<1x128x128xf32, #tpu.memory_space<vmem>> -> memref<128x128xf32, #tpu.memory_space<vmem>>
    %dma_wait3A_125 = arith.constant 0 : i32
    %dma_wait3A_126 = arith.constant 0 : i32
    %dma_wait3A_127 = tpu.memref_slice %arg2[%dma_wait3A_125, %dma_wait3A_126] : memref<10000x128xf32, #tpu.memory_space<hbm>> -> memref<128x128xf32, #tpu.memory_space<hbm>>
    %dma_wait3A_128 = arith.constant 0 : i32
    %dma_wait3A_129 = arith.constant 0 : i32
    %dma_wait3A_130 = tpu.memref_slice %arg9[%dma_wait3A_120, %dma_wait3A_128, %dma_wait3A_129] : memref<2x128x128xf32, #tpu.memory_space<vmem>> -> memref<1x128x128xf32, #tpu.memory_space<vmem>>
    %dma_wait3A_131 = tpu.memref_squeeze %dma_wait3A_130 : memref<1x128x128xf32, #tpu.memory_space<vmem>> -> memref<128x128xf32, #tpu.memory_space<vmem>>
    %dma_wait3A_132 = arith.constant 0 : i32
    %dma_wait3A_133 = arith.constant 0 : i32
    %dma_wait3A_134 = tpu.memref_slice %arg2[%dma_wait3A_132, %dma_wait3A_133] : memref<10000x128xf32, #tpu.memory_space<hbm>> -> memref<128x128xf32, #tpu.memory_space<hbm>>
    tpu.wait_dma2 semaphore(%arg11 : memref<!tpu.dma_semaphore, #tpu.memory_space<semaphore_mem>>) src(%dma_wait3A_134 : memref<128x128xf32, #tpu.memory_space<hbm>>) dst(%dma_wait3A_131 : memref<128x128xf32, #tpu.memory_space<vmem>>)
    %dma_wait3A_135 = arith.constant 1 : i32
    %dma_wait3A_136 = arith.constant 0 : i32
    %dma_wait3A_137 = arith.constant 0 : i32
    %dma_wait3A_138 = tpu.memref_slice %arg9[%dma_wait3A_135, %dma_wait3A_136, %dma_wait3A_137] : memref<2x128x128xf32, #tpu.memory_space<vmem>> -> memref<1x128x128xf32, #tpu.memory_space<vmem>>
    %dma_wait3A_139 = tpu.memref_squeeze %dma_wait3A_138 : memref<1x128x128xf32, #tpu.memory_space<vmem>> -> memref<128x128xf32, #tpu.memory_space<vmem>>
    %dma_wait3A_140 = arith.constant 0 : i32
    %dma_wait3A_141 = arith.constant 0 : i32
    %dma_wait3A_142 = tpu.memref_slice %arg2[%dma_wait3A_140, %dma_wait3A_141] : memref<10000x128xf32, #tpu.memory_space<hbm>> -> memref<128x128xf32, #tpu.memory_space<hbm>>
    %dma_wait3A_143 = arith.constant 0 : i32
    %dma_wait3A_144 = arith.constant 0 : i32
    %dma_wait3A_145 = tpu.memref_slice %arg9[%dma_wait3A_135, %dma_wait3A_143, %dma_wait3A_144] : memref<2x128x128xf32, #tpu.memory_space<vmem>> -> memref<1x128x128xf32, #tpu.memory_space<vmem>>
    %dma_wait3A_146 = tpu.memref_squeeze %dma_wait3A_145 : memref<1x128x128xf32, #tpu.memory_space<vmem>> -> memref<128x128xf32, #tpu.memory_space<vmem>>
    %dma_wait3A_147 = arith.constant 0 : i32
    %dma_wait3A_148 = arith.constant 0 : i32
    %dma_wait3A_149 = tpu.memref_slice %arg2[%dma_wait3A_147, %dma_wait3A_148] : memref<10000x128xf32, #tpu.memory_space<hbm>> -> memref<128x128xf32, #tpu.memory_space<hbm>>
    tpu.wait_dma2 semaphore(%arg12 : memref<!tpu.dma_semaphore, #tpu.memory_space<semaphore_mem>>) src(%dma_wait3A_149 : memref<128x128xf32, #tpu.memory_space<hbm>>) dst(%dma_wait3A_146 : memref<128x128xf32, #tpu.memory_space<vmem>>)
    %barrier3A_150 = arith.constant 0 : index
    tpu.barrier barrier_id(%barrier3A_150)
    %mul3A_151 = arith.constant 632 : i32
    %mul3A_152 = arith.muli %arg1, %mul3A_151 : i32
    %mul3A_153 = arith.constant 632 : i32
    %mul3A_154 = arith.muli %arg1, %mul3A_153 : i32
    "tpu.region"() ({
      %run_scoped3A = tpu.sem_alloc : memref<!tpu.dma_semaphore, #tpu.memory_space<semaphore_mem>>
      %dma_start3A_155 = arith.constant 0 : i32
      %dma_start3A_156 = tpu.memref_slice %arg5[%arg0, %mul3A_154, %dma_start3A_155] : memref<2x10112x128xf32, #tpu.memory_space<hbm>> -> memref<1x632x128xf32, #tpu.memory_space<hbm>>
      %dma_start3A_157 = tpu.memref_squeeze %dma_start3A_156 : memref<1x632x128xf32, #tpu.memory_space<hbm>> -> memref<632x128xf32, #tpu.memory_space<hbm>>
      %dma_start3A_158 = arith.constant 0 : i32
      %dma_start3A_159 = tpu.memref_slice %arg6[%mul3A_152, %dma_start3A_158] : memref<10112x128xf32, #tpu.memory_space<vmem_shared>> -> memref<632x128xf32, #tpu.memory_space<vmem_shared>>
      tpu.enqueue_dma source(%dma_start3A_159 : memref<632x128xf32, #tpu.memory_space<vmem_shared>>) target(%dma_start3A_157 : memref<632x128xf32, #tpu.memory_space<hbm>>) target_semaphore(%run_scoped3A : memref<!tpu.dma_semaphore, #tpu.memory_space<semaphore_mem>>)
      %dma_wait3A_160 = arith.constant 0 : i32
      %dma_wait3A_161 = tpu.memref_slice %arg5[%arg0, %mul3A_154, %dma_wait3A_160] : memref<2x10112x128xf32, #tpu.memory_space<hbm>> -> memref<1x632x128xf32, #tpu.memory_space<hbm>>
      %dma_wait3A_162 = tpu.memref_squeeze %dma_wait3A_161 : memref<1x632x128xf32, #tpu.memory_space<hbm>> -> memref<632x128xf32, #tpu.memory_space<hbm>>
      %dma_wait3A_163 = arith.constant 0 : i32
      %dma_wait3A_164 = tpu.memref_slice %arg6[%mul3A_152, %dma_wait3A_163] : memref<10112x128xf32, #tpu.memory_space<vmem_shared>> -> memref<632x128xf32, #tpu.memory_space<vmem_shared>>
      tpu.wait_dma2 semaphore(%run_scoped3A : memref<!tpu.dma_semaphore, #tpu.memory_space<semaphore_mem>>) src(%dma_wait3A_164 : memref<632x128xf32, #tpu.memory_space<vmem_shared>>) dst(%dma_wait3A_162 : memref<632x128xf32, #tpu.memory_space<hbm>>)
      tpu.yield
    }) : () -> ()
    return
  }
}

#map = affine_map<(d0, d1) -> (0, 0)>
module attributes {stable_mosaic.version = 14 : i64} {
  func.func @_deg_kernel(%arg0: i32, %arg1: i32, %arg2: memref<2560x128xi32, #tpu.memory_space<hbm>>, %arg3: memref<2x10240xf32, #tpu.memory_space<hbm>>, %arg4: memref<10240xf32, #tpu.memory_space<vmem_shared>>, %arg5: memref<80x128xi32, #tpu.memory_space<vmem>>, %arg6: memref<128xf32, #tpu.memory_space<vmem>>, %arg7: memref<640xf32, #tpu.memory_space<vmem>>) attributes {dimension_semantics = [#tpu.dimension_semantics<core_parallel>, #tpu.dimension_semantics<subcore_parallel>], iteration_bounds = array<i64: 2, 16>, scalar_prefetch = 0 : i64, scratch_operands = 4 : i64, tpu.core_type = #tpu.core_type<sc_vector_subcore>, window_params = [{transform_indices = #map}, {transform_indices = #map}]} {
    %mul3A = arith.constant 16 : i32
    %mul3A_0 = arith.muli %arg0, %mul3A : i32
    %add3A = arith.addi %mul3A_0, %arg1 : i32
    %scan3A = arith.constant 0 : i32
    %scan3A_1 = arith.constant 0 : i32
    %scan3A_2 = arith.constant 40 : i32
    %scan3A_3 = arith.addi %scan3A_1, %scan3A_2 : i32
    %scan3A_4 = arith.constant 1 : i32
    %scan3A_5 = scf.for %scan3A_30 = %scan3A_1 to %scan3A_3 step %scan3A_4 iter_args(%scan3A_31 = %scan3A) -> (i32)  : i32 {
      %broadcast_in_dim3A = arith.constant 0.000000e+00 : f32
      %broadcast_in_dim3A_32 = vector.broadcast %broadcast_in_dim3A : f32 to vector<16xf32>
      %mul3A_33 = arith.constant 16 : i32
      %mul3A_34 = arith.muli %scan3A_30, %mul3A_33 : i32
      %swap3A = arith.index_cast %mul3A_34 : i32 to index
      %swap3A_35 = tpu.vector_load %arg7[%swap3A] {strides = array<i32>} : memref<640xf32, #tpu.memory_space<vmem>>, vector<16xf32>,
      %swap3A_36 = vector.shape_cast %swap3A_35 : vector<16xf32> to vector<16xf32>
      %swap3A_37 = vector.shape_cast %broadcast_in_dim3A_32 : vector<16xf32> to vector<16xf32>
      tpu.vector_store %arg7[%swap3A], %swap3A_37 {strides = array<i32>} : memref<640xf32, #tpu.memory_space<vmem>>, vector<16xf32>,
      %scan3A_38 = arith.constant 0 : i32
      scf.yield %scan3A_38 : i32
    }
    %scan3A_6 = arith.constant 40 : i32
    %scan3A_7 = arith.constant 0 : i32
    %scan3A_8 = arith.constant 0 : i32
    %scan3A_9 = arith.constant 8 : i32
    %scan3A_10 = arith.addi %scan3A_8, %scan3A_9 : i32
    %scan3A_11 = arith.constant 1 : i32
    %scan3A_12 = scf.for %scan3A_30 = %scan3A_8 to %scan3A_10 step %scan3A_11 iter_args(%scan3A_31 = %scan3A_7) -> (i32)  : i32 {
      %broadcast_in_dim3A = arith.constant 1.000000e+00 : f32
      %broadcast_in_dim3A_32 = vector.broadcast %broadcast_in_dim3A : f32 to vector<16xf32>
      %mul3A_33 = arith.constant 16 : i32
      %mul3A_34 = arith.muli %scan3A_30, %mul3A_33 : i32
      %swap3A = arith.index_cast %mul3A_34 : i32 to index
      %swap3A_35 = tpu.vector_load %arg6[%swap3A] {strides = array<i32>} : memref<128xf32, #tpu.memory_space<vmem>>, vector<16xf32>,
      %swap3A_36 = vector.shape_cast %swap3A_35 : vector<16xf32> to vector<16xf32>
      %swap3A_37 = vector.shape_cast %broadcast_in_dim3A_32 : vector<16xf32> to vector<16xf32>
      tpu.vector_store %arg6[%swap3A], %swap3A_37 {strides = array<i32>} : memref<128xf32, #tpu.memory_space<vmem>>, vector<16xf32>,
      %scan3A_38 = arith.constant 0 : i32
      scf.yield %scan3A_38 : i32
    }
    %scan3A_13 = arith.constant 8 : i32
    %mul3A_14 = arith.constant 640 : i32
    %mul3A_15 = arith.muli %arg1, %mul3A_14 : i32
    "tpu.region"() ({
      %run_scoped3A = tpu.sem_alloc : memref<!tpu.dma_semaphore, #tpu.memory_space<semaphore_mem>>
      %dma_start3A = tpu.memref_slice %arg4[%mul3A_15] : memref<10240xf32, #tpu.memory_space<vmem_shared>> -> memref<640xf32, #tpu.memory_space<vmem_shared>>
      %dma_start3A_30 = tpu.memref_slice %arg4[%mul3A_15] : memref<10240xf32, #tpu.memory_space<vmem_shared>> -> memref<640xf32, #tpu.memory_space<vmem_shared>>
      tpu.enqueue_dma source(%arg7 : memref<640xf32, #tpu.memory_space<vmem>>) target(%dma_start3A_30 : memref<640xf32, #tpu.memory_space<vmem_shared>>) target_semaphore(%run_scoped3A : memref<!tpu.dma_semaphore, #tpu.memory_space<semaphore_mem>>)
      %dma_wait3A = tpu.memref_slice %arg4[%mul3A_15] : memref<10240xf32, #tpu.memory_space<vmem_shared>> -> memref<640xf32, #tpu.memory_space<vmem_shared>>
      %dma_wait3A_31 = tpu.memref_slice %arg4[%mul3A_15] : memref<10240xf32, #tpu.memory_space<vmem_shared>> -> memref<640xf32, #tpu.memory_space<vmem_shared>>
      tpu.wait_dma2 semaphore(%run_scoped3A : memref<!tpu.dma_semaphore, #tpu.memory_space<semaphore_mem>>) src(%arg7 : memref<640xf32, #tpu.memory_space<vmem>>) dst(%dma_wait3A_31 : memref<640xf32, #tpu.memory_space<vmem_shared>>)
      tpu.yield
    }) : () -> ()
    %mul3A_16 = arith.constant 80 : i32
    %mul3A_17 = arith.muli %add3A, %mul3A_16 : i32
    "tpu.region"() ({
      %run_scoped3A = tpu.sem_alloc : memref<!tpu.dma_semaphore, #tpu.memory_space<semaphore_mem>>
      %dma_start3A = arith.constant 0 : i32
      %dma_start3A_30 = tpu.memref_slice %arg2[%mul3A_17, %dma_start3A] : memref<2560x128xi32, #tpu.memory_space<hbm>> -> memref<80x128xi32, #tpu.memory_space<hbm>>
      %dma_start3A_31 = arith.constant 0 : i32
      %dma_start3A_32 = tpu.memref_slice %arg2[%mul3A_17, %dma_start3A_31] : memref<2560x128xi32, #tpu.memory_space<hbm>> -> memref<80x128xi32, #tpu.memory_space<hbm>>
      tpu.enqueue_dma source(%dma_start3A_32 : memref<80x128xi32, #tpu.memory_space<hbm>>) target(%arg5 : memref<80x128xi32, #tpu.memory_space<vmem>>) target_semaphore(%run_scoped3A : memref<!tpu.dma_semaphore, #tpu.memory_space<semaphore_mem>>)
      %dma_wait3A = arith.constant 0 : i32
      %dma_wait3A_33 = tpu.memref_slice %arg2[%mul3A_17, %dma_wait3A] : memref<2560x128xi32, #tpu.memory_space<hbm>> -> memref<80x128xi32, #tpu.memory_space<hbm>>
      %dma_wait3A_34 = arith.constant 0 : i32
      %dma_wait3A_35 = tpu.memref_slice %arg2[%mul3A_17, %dma_wait3A_34] : memref<2560x128xi32, #tpu.memory_space<hbm>> -> memref<80x128xi32, #tpu.memory_space<hbm>>
      tpu.wait_dma2 semaphore(%run_scoped3A : memref<!tpu.dma_semaphore, #tpu.memory_space<semaphore_mem>>) src(%dma_wait3A_35 : memref<80x128xi32, #tpu.memory_space<hbm>>) dst(%arg5 : memref<80x128xi32, #tpu.memory_space<vmem>>)
      tpu.yield
    }) : () -> ()
    %barrier3A = arith.constant 0 : index
    tpu.barrier barrier_id(%barrier3A)
    %scan3A_18 = arith.constant 0 : i32
    %scan3A_19 = arith.constant 0 : i32
    %scan3A_20 = arith.constant 80 : i32
    %scan3A_21 = arith.addi %scan3A_19, %scan3A_20 : i32
    %scan3A_22 = arith.constant 1 : i32
    %scan3A_23 = scf.for %scan3A_30 = %scan3A_19 to %scan3A_21 step %scan3A_22 iter_args(%scan3A_31 = %scan3A_18) -> (i32)  : i32 {
      "tpu.region"() ({
        %run_scoped3A = tpu.sem_alloc : memref<!tpu.dma_semaphore, #tpu.memory_space<semaphore_mem>>
        %dma_start3A = arith.constant 0 : i32
        %dma_start3A_33 = tpu.memref_slice %arg5[%scan3A_30, %dma_start3A] : memref<80x128xi32, #tpu.memory_space<vmem>> -> memref<1x128xi32, #tpu.memory_space<vmem>>
        %dma_start3A_34 = tpu.memref_squeeze %dma_start3A_33 : memref<1x128xi32, #tpu.memory_space<vmem>> -> memref<128xi32, #tpu.memory_space<vmem>>
        %dma_start3A_35 = arith.constant 0 : i32
        %dma_start3A_36 = tpu.memref_slice %arg4[%dma_start3A_35] : memref<10240xf32, #tpu.memory_space<vmem_shared>> -> memref<10240xf32, #tpu.memory_space<vmem_shared>>
        tpu.enqueue_indirect_dma source(%arg6 : memref<128xf32, #tpu.memory_space<vmem>>) target(%dma_start3A_36 : memref<10240xf32, #tpu.memory_space<vmem_shared>>) offsets(%dma_start3A_34 : memref<128xi32, #tpu.memory_space<vmem>>) semaphore(%run_scoped3A : memref<!tpu.dma_semaphore, #tpu.memory_space<semaphore_mem>>) {add = true}
        %dma_wait3A = arith.constant 0 : i32
        %dma_wait3A_37 = tpu.memref_slice %arg5[%scan3A_30, %dma_wait3A] : memref<80x128xi32, #tpu.memory_space<vmem>> -> memref<1x128xi32, #tpu.memory_space<vmem>>
        %dma_wait3A_38 = tpu.memref_squeeze %dma_wait3A_37 : memref<1x128xi32, #tpu.memory_space<vmem>> -> memref<128xi32, #tpu.memory_space<vmem>>
        %dma_wait3A_39 = arith.constant 0 : i32
        %dma_wait3A_40 = tpu.memref_slice %arg4[%dma_wait3A_39] : memref<10240xf32, #tpu.memory_space<vmem_shared>> -> memref<10240xf32, #tpu.memory_space<vmem_shared>>
        tpu.wait_indirect_dma semaphore(%run_scoped3A : memref<!tpu.dma_semaphore, #tpu.memory_space<semaphore_mem>>) src(%arg6 : memref<128xf32, #tpu.memory_space<vmem>>) dst(%dma_wait3A_40 : memref<10240xf32, #tpu.memory_space<vmem_shared>>)
        tpu.yield
      }) : () -> ()
      %scan3A_32 = arith.constant 0 : i32
      scf.yield %scan3A_32 : i32
    }
    %scan3A_24 = arith.constant 80 : i32
    %barrier3A_25 = arith.constant 0 : index
    tpu.barrier barrier_id(%barrier3A_25)
    %mul3A_26 = arith.constant 640 : i32
    %mul3A_27 = arith.muli %arg1, %mul3A_26 : i32
    %mul3A_28 = arith.constant 640 : i32
    %mul3A_29 = arith.muli %arg1, %mul3A_28 : i32
    "tpu.region"() ({
      %run_scoped3A = tpu.sem_alloc : memref<!tpu.dma_semaphore, #tpu.memory_space<semaphore_mem>>
      %dma_start3A = tpu.memref_slice %arg3[%arg0, %mul3A_29] : memref<2x10240xf32, #tpu.memory_space<hbm>> -> memref<1x640xf32, #tpu.memory_space<hbm>>
      %dma_start3A_30 = tpu.memref_squeeze %dma_start3A : memref<1x640xf32, #tpu.memory_space<hbm>> -> memref<640xf32, #tpu.memory_space<hbm>>
      %dma_start3A_31 = tpu.memref_slice %arg4[%mul3A_27] : memref<10240xf32, #tpu.memory_space<vmem_shared>> -> memref<640xf32, #tpu.memory_space<vmem_shared>>
      tpu.enqueue_dma source(%dma_start3A_31 : memref<640xf32, #tpu.memory_space<vmem_shared>>) target(%dma_start3A_30 : memref<640xf32, #tpu.memory_space<hbm>>) target_semaphore(%run_scoped3A : memref<!tpu.dma_semaphore, #tpu.memory_space<semaphore_mem>>)
      %dma_wait3A = tpu.memref_slice %arg3[%arg0, %mul3A_29] : memref<2x10240xf32, #tpu.memory_space<hbm>> -> memref<1x640xf32, #tpu.memory_space<hbm>>
      %dma_wait3A_32 = tpu.memref_squeeze %dma_wait3A : memref<1x640xf32, #tpu.memory_space<hbm>> -> memref<640xf32, #tpu.memory_space<hbm>>
      %dma_wait3A_33 = tpu.memref_slice %arg4[%mul3A_27] : memref<10240xf32, #tpu.memory_space<vmem_shared>> -> memref<640xf32, #tpu.memory_space<vmem_shared>>
      tpu.wait_dma2 semaphore(%run_scoped3A : memref<!tpu.dma_semaphore, #tpu.memory_space<semaphore_mem>>) src(%dma_wait3A_33 : memref<640xf32, #tpu.memory_space<vmem_shared>>) dst(%dma_wait3A_32 : memref<640xf32, #tpu.memory_space<hbm>>)
      tpu.yield
    }) : () -> ()
    return
  }
}

module attributes {stable_mosaic.version = 14 : i64} {
  func.func @_h3_body(%arg0: i32, %arg1: memref<2048x128xf32, #tpu.memory_space<vmem>>, %arg2: memref<128x128xf32, #tpu.memory_space<vmem>>, %arg3: memref<2x2048xf32, #tpu.memory_space<vmem>>, %arg4: memref<1x128xf32, #tpu.memory_space<vmem>>, %arg5: memref<1x128xf32, #tpu.memory_space<vmem>>, %arg6: memref<2048x128xf32, #tpu.memory_space<vmem>>) attributes {dimension_semantics = [#tpu.dimension_semantics<arbitrary>], iteration_bounds = array<i64: 5>, scalar_prefetch = 0 : i64, scratch_operands = 0 : i64, tpu.core_type = #tpu.core_type<tc>, window_params = [{transform_indices = @transform_0, window_bounds = array<i64: 2048, 128>}, {pipeline_mode = #tpu.pipeline_mode<synchronous>, transform_indices = @transform_1, window_bounds = array<i64: 128, 128>}, {transform_indices = @transform_2, window_bounds = array<i64: 2, 2048>}, {pipeline_mode = #tpu.pipeline_mode<synchronous>, transform_indices = @transform_3, window_bounds = array<i64: 1, 128>}, {pipeline_mode = #tpu.pipeline_mode<synchronous>, transform_indices = @transform_4, window_bounds = array<i64: 1, 128>}, {transform_indices = @transform_5, window_bounds = array<i64: 2048, 128>}]} {
    %get3A = arith.constant 0 : index
    %get3A_0 = arith.constant 0 : index
    %get3A_1 = vector.load %arg1[%get3A, %get3A_0] : memref<2048x128xf32, #tpu.memory_space<vmem>>, vector<2048x128xf32>
    %reduce_sum3A = arith.constant dense<0.000000e+00> : vector<2048xf32>
    %reduce_sum3A_2 = vector.multi_reduction <add>, %get3A_1, %reduce_sum3A [1] : vector<2048x128xf32> to vector<2048xf32>
    %broadcast_in_dim3A = vector.shape_cast %reduce_sum3A_2 : vector<2048xf32> to vector<2048x1xf32>
    %div3A = arith.constant 1.280000e+02 : f32
    %div3A_3 = vector.broadcast %div3A : f32 to vector<2048x1xf32>
    %div3A_4 = arith.divf %broadcast_in_dim3A, %div3A_3 : vector<2048x1xf32>
    %sub3A = vector.broadcast %div3A_4 : vector<2048x1xf32> to vector<2048x128xf32>
    %sub3A_5 = arith.subf %get3A_1, %sub3A : vector<2048x128xf32>
    %mul3A = arith.mulf %sub3A_5, %sub3A_5 : vector<2048x128xf32>
    %reduce_sum3A_6 = arith.constant dense<0.000000e+00> : vector<2048xf32>
    %reduce_sum3A_7 = vector.multi_reduction <add>, %mul3A, %reduce_sum3A_6 [1] : vector<2048x128xf32> to vector<2048xf32>
    %broadcast_in_dim3A_8 = vector.shape_cast %reduce_sum3A_7 : vector<2048xf32> to vector<2048x1xf32>
    %div3A_9 = arith.constant 1.280000e+02 : f32
    %div3A_10 = vector.broadcast %div3A_9 : f32 to vector<2048x1xf32>
    %div3A_11 = arith.divf %broadcast_in_dim3A_8, %div3A_10 : vector<2048x1xf32>
    %add3A = arith.constant 9.99999974E-6 : f32
    %add3A_12 = vector.broadcast %add3A : f32 to vector<2048x1xf32>
    %add3A_13 = arith.addf %div3A_11, %add3A_12 : vector<2048x1xf32>
    %rsqrt3A = math.rsqrt %add3A_13 : vector<2048x1xf32>
    %mul3A_14 = vector.broadcast %rsqrt3A : vector<2048x1xf32> to vector<2048x128xf32>
    %mul3A_15 = arith.mulf %sub3A_5, %mul3A_14 : vector<2048x128xf32>
    %get3A_16 = arith.constant 0 : index
    %get3A_17 = arith.constant 0 : index
    %get3A_18 = vector.load %arg4[%get3A_16, %get3A_17] : memref<1x128xf32, #tpu.memory_space<vmem>>, vector<1x128xf32>
    %mul3A_19 = vector.broadcast %get3A_18 : vector<1x128xf32> to vector<2048x128xf32>
    %mul3A_20 = arith.mulf %mul3A_15, %mul3A_19 : vector<2048x128xf32>
    %get3A_21 = arith.constant 0 : index
    %get3A_22 = arith.constant 0 : index
    %get3A_23 = vector.load %arg5[%get3A_21, %get3A_22] : memref<1x128xf32, #tpu.memory_space<vmem>>, vector<1x128xf32>
    %add3A_24 = vector.broadcast %get3A_23 : vector<1x128xf32> to vector<2048x128xf32>
    %add3A_25 = arith.addf %mul3A_20, %add3A_24 : vector<2048x128xf32>
    %get3A_26 = arith.constant 0 : index
    %get3A_27 = arith.constant 0 : index
    %get3A_28 = vector.load %arg2[%get3A_26, %get3A_27] : memref<128x128xf32, #tpu.memory_space<vmem>>, vector<128x128xf32>
    %dot_general3A = arith.constant dense<0.000000e+00> : vector<2048x128xf32>
    %dot_general3A_29 = tpu.matmul %add3A_25, %get3A_28, %dot_general3A {dimension_numbers = #tpu.dot_dimension_numbers<[1], [0], [0], [1], [0, 0, 1, 1], [], []>, transpose_lhs_hint = false} : vector<2048x128xf32>, vector<128x128xf32>, vector<2048x128xf32> -> vector<2048x128xf32>
    %get3A_30 = arith.constant 0 : index
    %get3A_31 = arith.constant 0 : index
    %get3A_32 = vector.load %arg3[%get3A_30, %get3A_31] : memref<2x2048xf32, #tpu.memory_space<vmem>>, vector<2x2048xf32>
    %reduce_sum3A_33 = arith.constant dense<0.000000e+00> : vector<2048xf32>
    %reduce_sum3A_34 = vector.multi_reduction <add>, %get3A_32, %reduce_sum3A_33 [0] : vector<2x2048xf32> to vector<2048xf32>
    %add3A_35 = arith.constant 1.000000e+00 : f32
    %add3A_36 = vector.broadcast %add3A_35 : f32 to vector<2048xf32>
    %add3A_37 = arith.addf %reduce_sum3A_34, %add3A_36 : vector<2048xf32>
    %rsqrt3A_38 = math.rsqrt %add3A_37 : vector<2048xf32>
    %broadcast_in_dim3A_39 = vector.shape_cast %rsqrt3A_38 : vector<2048xf32> to vector<2048x1xf32>
    %mul3A_40 = vector.broadcast %broadcast_in_dim3A_39 : vector<2048x1xf32> to vector<2048x128xf32>
    %mul3A_41 = arith.mulf %dot_general3A_29, %mul3A_40 : vector<2048x128xf32>
    %swap3A = arith.constant 0 : index
    %swap3A_42 = arith.constant 0 : index
    %swap3A_43 = vector.load %arg6[%swap3A, %swap3A_42] : memref<2048x128xf32, #tpu.memory_space<vmem>>, vector<2048x128xf32>
    tpu.vector_store %arg6[%swap3A, %swap3A_42], %mul3A_41 {strides = array<i32>} : memref<2048x128xf32, #tpu.memory_space<vmem>>, vector<2048x128xf32>,
    return
  }
  func.func @transform_0(%arg0: i32) -> (i32, i32) {
    %c0_i32 = arith.constant 0 : i32
    %c0_i32_0 = arith.constant 0 : i32
    return %arg0, %c0_i32 : i32, i32
  }
  func.func @transform_1(%arg0: i32) -> (i32, i32) {
    %c0_i32 = arith.constant 0 : i32
    %c0_i32_0 = arith.constant 0 : i32
    %c0_i32_1 = arith.constant 0 : i32
    return %c0_i32, %c0_i32_0 : i32, i32
  }
  func.func @transform_2(%arg0: i32) -> (i32, i32) {
    %c0_i32 = arith.constant 0 : i32
    %c0_i32_0 = arith.constant 0 : i32
    return %c0_i32, %arg0 : i32, i32
  }
  func.func @transform_3(%arg0: i32) -> (i32, i32) {
    %c0_i32 = arith.constant 0 : i32
    %c0_i32_0 = arith.constant 0 : i32
    %c0_i32_1 = arith.constant 0 : i32
    return %c0_i32, %c0_i32_0 : i32, i32
  }
  func.func @transform_4(%arg0: i32) -> (i32, i32) {
    %c0_i32 = arith.constant 0 : i32
    %c0_i32_0 = arith.constant 0 : i32
    %c0_i32_1 = arith.constant 0 : i32
    return %c0_i32, %c0_i32_0 : i32, i32
  }
  func.func @transform_5(%arg0: i32) -> (i32, i32) {
    %c0_i32 = arith.constant 0 : i32
    %c0_i32_0 = arith.constant 0 : i32
    return %arg0, %c0_i32 : i32, i32
  }
}

module attributes {stable_mosaic.version = 14 : i64} {
  func.func @_out_body(%arg0: i32, %arg1: memref<2048x128xf32, #tpu.memory_space<vmem>>, %arg2: memref<2x2048x128xf32, #tpu.memory_space<vmem>>, %arg3: memref<2048x128xf32, #tpu.memory_space<vmem>>, %arg4: memref<2x2048xf32, #tpu.memory_space<vmem>>, %arg5: memref<1x128xf32, #tpu.memory_space<vmem>>, %arg6: memref<2048x128xf32, #tpu.memory_space<vmem>>) attributes {dimension_semantics = [#tpu.dimension_semantics<arbitrary>], iteration_bounds = array<i64: 5>, scalar_prefetch = 0 : i64, scratch_operands = 0 : i64, tpu.core_type = #tpu.core_type<tc>, window_params = [{transform_indices = @transform_0, window_bounds = array<i64: 2048, 128>}, {transform_indices = @transform_1, window_bounds = array<i64: 2, 2048, 128>}, {transform_indices = @transform_2, window_bounds = array<i64: 2048, 128>}, {transform_indices = @transform_3, window_bounds = array<i64: 2, 2048>}, {pipeline_mode = #tpu.pipeline_mode<synchronous>, transform_indices = @transform_4, window_bounds = array<i64: 1, 128>}, {transform_indices = @transform_5, window_bounds = array<i64: 2048, 128>}]} {
    %get3A = arith.constant 0 : index
    %get3A_0 = arith.constant 0 : index
    %get3A_1 = arith.constant 0 : index
    %get3A_2 = vector.load %arg2[%get3A, %get3A_0, %get3A_1] : memref<2x2048x128xf32, #tpu.memory_space<vmem>>, vector<1x2048x128xf32>
    %get3A_3 = vector.shape_cast %get3A_2 : vector<1x2048x128xf32> to vector<2048x128xf32>
    %get3A_4 = arith.constant 1 : index
    %get3A_5 = arith.constant 0 : index
    %get3A_6 = arith.constant 0 : index
    %get3A_7 = vector.load %arg2[%get3A_4, %get3A_5, %get3A_6] : memref<2x2048x128xf32, #tpu.memory_space<vmem>>, vector<1x2048x128xf32>
    %get3A_8 = vector.shape_cast %get3A_7 : vector<1x2048x128xf32> to vector<2048x128xf32>
    %add3A = arith.addf %get3A_3, %get3A_8 : vector<2048x128xf32>
    %get3A_9 = arith.constant 0 : index
    %get3A_10 = arith.constant 0 : index
    %get3A_11 = vector.load %arg3[%get3A_9, %get3A_10] : memref<2048x128xf32, #tpu.memory_space<vmem>>, vector<2048x128xf32>
    %add3A_12 = arith.addf %add3A, %get3A_11 : vector<2048x128xf32>
    %get3A_13 = arith.constant 0 : index
    %get3A_14 = arith.constant 0 : index
    %get3A_15 = vector.load %arg4[%get3A_13, %get3A_14] : memref<2x2048xf32, #tpu.memory_space<vmem>>, vector<2x2048xf32>
    %reduce_sum3A = arith.constant dense<0.000000e+00> : vector<2048xf32>
    %reduce_sum3A_16 = vector.multi_reduction <add>, %get3A_15, %reduce_sum3A [0] : vector<2x2048xf32> to vector<2048xf32>
    %add3A_17 = arith.constant 1.000000e+00 : f32
    %add3A_18 = vector.broadcast %add3A_17 : f32 to vector<2048xf32>
    %add3A_19 = arith.addf %reduce_sum3A_16, %add3A_18 : vector<2048xf32>
    %rsqrt3A = math.rsqrt %add3A_19 : vector<2048xf32>
    %broadcast_in_dim3A = vector.shape_cast %rsqrt3A : vector<2048xf32> to vector<2048x1xf32>
    %mul3A = vector.broadcast %broadcast_in_dim3A : vector<2048x1xf32> to vector<2048x128xf32>
    %mul3A_20 = arith.mulf %mul3A, %add3A_12 : vector<2048x128xf32>
    %get3A_21 = arith.constant 0 : index
    %get3A_22 = arith.constant 0 : index
    %get3A_23 = vector.load %arg5[%get3A_21, %get3A_22] : memref<1x128xf32, #tpu.memory_space<vmem>>, vector<1x128xf32>
    %add3A_24 = vector.broadcast %get3A_23 : vector<1x128xf32> to vector<2048x128xf32>
    %add3A_25 = arith.addf %mul3A_20, %add3A_24 : vector<2048x128xf32>
    %get3A_26 = arith.constant 0 : index
    %get3A_27 = arith.constant 0 : index
    %get3A_28 = vector.load %arg1[%get3A_26, %get3A_27] : memref<2048x128xf32, #tpu.memory_space<vmem>>, vector<2048x128xf32>
    %add3A_29 = arith.addf %get3A_28, %add3A_25 : vector<2048x128xf32>
    %max3A = arith.constant 0.000000e+00 : f32
    %max3A_30 = vector.broadcast %max3A : f32 to vector<2048x128xf32>
    %max3A_31 = arith.maximumf %add3A_29, %max3A_30 : vector<2048x128xf32>
    %swap3A = arith.constant 0 : index
    %swap3A_32 = arith.constant 0 : index
    %swap3A_33 = vector.load %arg6[%swap3A, %swap3A_32] : memref<2048x128xf32, #tpu.memory_space<vmem>>, vector<2048x128xf32>
    tpu.vector_store %arg6[%swap3A, %swap3A_32], %max3A_31 {strides = array<i32>} : memref<2048x128xf32, #tpu.memory_space<vmem>>, vector<2048x128xf32>,
    return
  }
  func.func @transform_0(%arg0: i32) -> (i32, i32) {
    %c0_i32 = arith.constant 0 : i32
    %c0_i32_0 = arith.constant 0 : i32
    return %arg0, %c0_i32 : i32, i32
  }
  func.func @transform_1(%arg0: i32) -> (i32, i32, i32) {
    %c0_i32 = arith.constant 0 : i32
    %c0_i32_0 = arith.constant 0 : i32
    %c0_i32_1 = arith.constant 0 : i32
    return %c0_i32, %arg0, %c0_i32_0 : i32, i32, i32
  }
  func.func @transform_2(%arg0: i32) -> (i32, i32) {
    %c0_i32 = arith.constant 0 : i32
    %c0_i32_0 = arith.constant 0 : i32
    return %arg0, %c0_i32 : i32, i32
  }
  func.func @transform_3(%arg0: i32) -> (i32, i32) {
    %c0_i32 = arith.constant 0 : i32
    %c0_i32_0 = arith.constant 0 : i32
    return %c0_i32, %arg0 : i32, i32
  }
  func.func @transform_4(%arg0: i32) -> (i32, i32) {
    %c0_i32 = arith.constant 0 : i32
    %c0_i32_0 = arith.constant 0 : i32
    %c0_i32_1 = arith.constant 0 : i32
    return %c0_i32, %c0_i32_0 : i32, i32
  }
  func.func @transform_5(%arg0: i32) -> (i32, i32) {
    %c0_i32 = arith.constant 0 : i32
    %c0_i32_0 = arith.constant 0 : i32
    return %arg0, %c0_i32 : i32, i32
  }
}

</mosaic_0001>

<sc_bundles>
// kernel: kernel.6.cloned.1.call-start
scs
__scs_entry_jumppad:
0x0: {  	(pc) =	sbr.rel $0x88, $3  }
0x1: {  	(tag) =	ssettag $0x0;
	lr =	simm.s32 $0x1  }
0x2: {  	[smem:$0x3F9B] =	sst lr;
	_ =	strace $0xD0000000  }
0x3: {  	_ = 	snop  }
0x4: {  	_ = 	snop  }
0x5: {  	_ = 	snop  }
0x6: {  	_ = 	snop  }
0x7: {  	_ = 	snop  }
__scs_overlays_trampoline_lowered:
0x8: {  	[smem:$0x3FAA] =	sst s0  }
0x9: {  	[smem:$0x3FAB] =	sst s1  }
0xa: {  	[smem:$0x3FAC] =	sst s2  }
0xb: {  	[smem:$0x3FAD] =	sst s3  }
0xc: {  	[smem:$0x3FAE] =	sst s4  }
0xd: {  	[smem:$0x3FAF] =	sst s5  }
0xe: {  	[smem:$0x3FB0] =	sst s6  }
0xf: {  	[smem:$0x3FB1] =	sst s7  }
0x10: {  	[smem:$0x3FB2] =	sst s8  }
0x11: {  	[smem:$0x3FB3] =	sst s9;
	s0 =	simm.s32 @!p0 $0x0  }
0x12: {  	s1 =	sld [smem:$0x3F99];
	s0 =	simm.s32 @p0 $0x1  }
0x13: {  	[smem:$0x3FB4] =	sst s0;
	s0 =	simm.s32 @!p1 $0x0  }
0x14: {  	s2 =	sld [smem:$0x3F98];
	s0 =	simm.s32 @p1 $0x1  }
0x15: {  	[smem:$0x3FB5] =	sst s0;
	s0 =	simm.s32 @!p2 $0x0  }
0x16: {  	s3 =	sld [smem:$0x3FDB];
	s0 =	simm.s32 @p2 $0x1  }
0x17: {  	s4 =	simm.s32 $0x1BF5;
	[smem:$0x3FB7] =	sst s0  }
0x18: {  	s0 =	sld [smem:$0x3F9A];
	_ =	swait.ge [sflag:s4], $0x0  }
0x19: {  	s7 =	sld [smem:$0x3F9B]  }
0x1a: {  	s8 =	sadd.s32 $0xFFFFE003, lr  }
0x1b: {  	s9 =	sadd.s32 $0xFFFFFEF7, lr;
	s5 =	simm.s32 $0xFFFFFFFF;
	p2 =	slt.u32 s8, $0xFFFFF086  }
0x1c: {  	p1 =	slt.u32 s9, $0xF7A;
	s5 =	simm.s32 @!p2 $0x0  }
0x1d: {  	s5 =	simm.s32 @p1 $0x1;
	p0 =	seq.s32 s7, s2  }
0x1e: {  	s7 =	smul.u32 @!p0 $0xF7A, s2;
	p2 =	seq.s32 @!p0 s5, $0x0  }
0x1f: {  	s9 =	smul.u32 $0xF7A, s1;
	s8 =	simm.s32 @!p0 $0x1BF5;
	p2 =	por !p2, p0  }
0x20: {  	[sflag:s8] =	ssyncset.s32 @!p0 $0xFFFFF086;
	s6 =	sadd.s32 @!p0 s3, s7;
	s7 =	simm.s32 @!p0 $0x108  }
0x21: {  	s3 =	sadd.s32 s3, s9;
	s6 =	sadd.s32 @!p0 $0x88, s6;
	s7 =	simm.s32 @p2 $0x1082  }
0x22: {  	[simem:s7], [sflag:s8] =	dma.local @!p0 [hbm:s6], $0xF7A  }
0x23: {  	s9 =	sor.u32 $0xD0000000, s2;
	s6 =	simm.s32 $0x108;
	_ =	swait.ge @!p0 [sflag:s8], $0x0  }
0x24: {  	s3 =	sadd.s32 $0x88, s3;
	s6 =	simm.s32 @!p1 $0x1082;
	[sflag:s4] =	ssyncset.s32 $0xFFFFF086  }
0x25: {  	[simem:s6], [sflag:s4] =	dma.local [hbm:s3], $0xF7A  }
0x26: {  	[smem:$0x3F9B] =	sst s1;
	(tag) =	ssettag s2;
	_ =	strace s9  }
0x27: {  	s1 =	sld [smem:$0x3FAB]  }
0x28: {  	s2 =	sld [smem:$0x3FAC]  }
0x29: {  	s4 =	sld [smem:$0x3FAE]  }
0x2a: {  	p0 =	seq.s32 s5, $0x0;
	s5 =	sld [smem:$0x3FAF]  }
0x2b: {  	s6 =	sld [smem:$0x3FB0]  }
0x2c: {  	s7 =	sld [smem:$0x3FB1]  }
0x2d: {  	s3 =	simm.s32 $0x108;
	s8 =	sld [smem:$0x3FB2]  }
0x2e: {  	s3 =	simm.s32 @!p0 $0x1082;
	s9 =	sld [smem:$0x3FB3]  }
0x2f: {  	lr =	sadd.s32 s0, s3;
	s0 =	sld [smem:$0x3FAA]  }
0x30: {  	s3 =	sld [smem:$0x3FAD]  }
0x31: {  	[smem:$0x3FB6] =	sst s10  }
0x32: {  	s10 =	sld [smem:$0x3FB4];
	_ =	sdelay $0x3  }
0x33: {  	p0 =	seq.s32 s10, $0x1;
	s10 =	sld [smem:$0x3FB6];
	_ =	sdelay $0x3  }
0x34: {  	[smem:$0x3FB6] =	sst s10  }
0x35: {  	s10 =	sld [smem:$0x3FB5];
	_ =	sdelay $0x3  }
0x36: {  	p1 =	seq.s32 s10, $0x1;
	s10 =	sld [smem:$0x3FB6];
	_ =	sdelay $0x3  }
0x37: {  	[smem:$0x3FB6] =	sst s10  }
0x38: {  	s10 =	sld [smem:$0x3FB7]  }
0x39: {  	_ = 	snop;
	(pc) =	sbr.ind lr, $3  }
0x3a: {  	_ = 	snop  }
0x3b: {  	_ = 	snop  }
0x3c: {  	p2 =	seq.s32 s10, $0x1;
	s10 =	sld [smem:$0x3FB6]  }
0x3d: {  	_ =	shalt  }
0x3e: {  	_ =	shalt  }
0x3f: {  	_ =	shalt  }
0x40: {  	_ =	shalt  }
0x41: {  	_ =	shalt  }
0x42: {  	_ =	shalt  }
0x43: {  	_ =	shalt  }
0x44: {  	_ =	shalt  }
0x45: {  	_ =	shalt  }
0x46: {  	_ =	shalt  }
0x47: {  	_ =	shalt  }
0x48: {  	_ =	shalt  }
0x49: {  	_ =	shalt  }
0x4a: {  	_ =	shalt  }
0x4b: {  	_ =	shalt  }
0x4c: {  	_ =	shalt  }
0x4d: {  	_ =	shalt  }
0x4e: {  	_ =	shalt  }
0x4f: {  	_ =	shalt  }
0x50: {  	_ =	shalt  }
0x51: {  	_ =	shalt  }
0x52: {  	_ =	shalt  }
0x53: {  	_ =	shalt  }
0x54: {  	_ =	shalt  }
0x55: {  	_ =	shalt  }
0x56: {  	_ =	shalt  }
0x57: {  	_ =	shalt  }
0x58: {  	_ =	shalt  }
0x59: {  	_ =	shalt  }
0x5a: {  	_ =	shalt  }
0x5b: {  	_ =	shalt  }
0x5c: {  	_ =	shalt  }
0x5d: {  	_ =	shalt  }
0x5e: {  	_ =	shalt  }
0x5f: {  	_ =	shalt  }
0x60: {  	_ =	shalt  }
0x61: {  	_ =	shalt  }
0x62: {  	_ =	shalt  }
0x63: {  	_ =	shalt  }
0x64: {  	_ =	shalt  }
0x65: {  	_ =	shalt  }
0x66: {  	_ =	shalt  }
0x67: {  	_ =	shalt  }
0x68: {  	_ =	shalt  }
0x69: {  	_ =	shalt  }
0x6a: {  	_ =	shalt  }
0x6b: {  	_ =	shalt  }
0x6c: {  	_ =	shalt  }
0x6d: {  	_ =	shalt  }
0x6e: {  	_ =	shalt  }
0x6f: {  	_ =	shalt  }
0x70: {  	_ =	shalt  }
0x71: {  	_ =	shalt  }
0x72: {  	_ =	shalt  }
0x73: {  	_ =	shalt  }
0x74: {  	_ =	shalt  }
0x75: {  	_ =	shalt  }
0x76: {  	_ =	shalt  }
0x77: {  	_ =	shalt  }
0x78: {  	_ =	shalt  }
0x79: {  	_ =	shalt  }
0x7a: {  	_ =	shalt  }
0x7b: {  	_ =	shalt  }
0x7c: {  	_ =	shalt  }
0x7d: {  	_ =	shalt  }
0x7e: {  	_ =	shalt  }
0x7f: {  	_ =	shalt  }
0x80: {  	_ =	shalt  }
0x81: {  	_ =	shalt  }
0x82: {  	_ =	shalt  }
0x83: {  	_ =	shalt  }
0x84: {  	_ =	shalt  }
0x85: {  	_ =	shalt  }
0x86: {  	_ =	shalt  }
0x87: {  	_ =	shalt  }
.Lfunc_end0:
.L_simem_size_0:
called_computation_lowered:
.L_overlay_start_0:
0x88: {  	s2 =	sld [smem:$0x3FD9]  }
0x89: {  	s3 =	sld [smem:$0x3FFE];
	_ =	sdelay $0x1  }
0x8a: {  	s1 =	srdreg.scid  }
0x8b: {  	s0 =	sand.u32 $0x1, s1  }
0x8c: {  	s17 =	sshll.u32 s0, $0xA;
	s2 =	sadd.s32 s3, s2  }
0x8d: {  	s2 =	sadd.s32 s2, s17  }
0x8e: {  	[smem:$0x3FC2] =	sst s2  }
0x8f: {  	_ = 	snop  }
0x90: {  	s2 =	sld [smem:$0x3FD0];
	(tm) =	ssettm $0x1  }
0x91: {  	s18 =	sld [smem:$0x3FFB];
	_ =	sdelay $0x3  }
0x92: {  	_ =	strace s18  }
0x93: {  	s3 =	sld [smem:$0x3FFC];
	_ =	sdelay $0x3  }
0x94: {  	_ =	strace s3  }
0x95: {  	s3 =	sld [smem:$0x3FFD];
	_ =	sdelay $0x3  }
0x96: {  	_ =	strace s3  }
0x97: {  	_ =	strace $0x8FFFFFFF  }
0x98: {  	s19 =	sld [smem:$0x3FDB];
	_ =	sdelay $0x1  }
0x99: {  	s4 =	simm.s32 $_scs_section_size  }
0x9a: {  	s5 =	simm.s32 $_size__tile_overlayer_lowered;
	s6 =	simm.s32 $_tile_overlayer_lowered  }
0x9b: {  	s22 =	simm.s32 $0x1BFF;
	s21 =	sshll.u32 s6, $0x1;
	s3 =	sadd.s32 s4, s19  }
0x9c: {  	s7 =	simm.s32 $0x0;
	s20 =	sshll.u32 s5, $0x1;
	s5 =	sadd.s32 s21, s3  }
0x9d: {  	[timem:s7], [sflag:s22] =	dma.local [hbm:s5], s20  }
0x9e: {  	_ =	swait.ge [sflag:s22], s20  }
0x9f: {  	s4 =	ssub.s32 $0x0, s20;
	[sflag:s22] =	ssyncset.done $0x0  }
0xa0: {  	[sflag:s22] =	ssyncadd.s32 s4;
	_ =	sdelay $0x1  }
0xa1: {  	s23 =	simm.s32 $0x1B8B  }
0xa2: {  	_ =	swait.ge [sflag:s23], $0x1  }
0xa3: {  	[sflag:s23] =	ssyncset.done $0x0  }
0xa4: {  	s25 =	simm.s32 $0x1B8E;
	s24 =	sld [smem:$0x3FFE];
	[sflag:s23] =	ssyncadd.s32 $0xFFFFFFFF  }
0xa5: {  	s26 =	simm.s32 $execute0_lowered;
	[smem:$0x3FD2] =	sst s25  }
0xa6: {  	s5 =	sshll.u32 s26, $0x1;
	_ =	strace $0x80000046;
	[dreg:$0x1] =	wrdreg $0xFFFFFFFF  }
0xa7: {  	s28 =	simm.s32 $_size_execute0_lowered;
	s3 =	sadd.s32 s3, s5;
	[dreg:$0x0] =	wrdreg $0x0  }
0xa8: {  	s5 =	sshll.u32 s28, $0x1;
	[dreg:$0x2] =	wrdreg s3  }
0xa9: {  	[dreg:$0x3] =	wrdreg s5  }
0xaa: {  	[dreg:$0x4] =	wrdreg $0xC0  }
0xab: {  	_ =	task [dreg:s7], $0x5FFFF  }
0xac: {  	[dreg:$0x1] =	wrdreg $0xFFFFFFFF  }
0xad: {  	[dreg:$0x0] =	wrdreg $0x60  }
0xae: {  	[dreg:$0x2] =	wrdreg s24  }
0xaf: {  	[dreg:$0x3] =	wrdreg s2  }
0xb0: {  	[dreg:$0x4] =	wrdreg $0x0  }
0xb1: {  	[dreg:$0x5] =	wrdreg $0x9  }
0xb2: {  	_ =	task.clear_ibuf [dreg:s7], $0x6FFFF;
	_ =	strace $0x90000046  }
0xb3: {  	s29 =	simm.s32 $0x9;
	_ =	strace $0x80000048  }
0xb4: {  	_ =	swait.ge [sflag:s29], $0x1  }
0xb5: {  	[sflag:s29] =	ssyncadd.s32 $0xFFFFFFFF  }
0xb6: {  	_ =	strace $0x90000048  }
0xb7: {  	_ =	sfence  }
0xb8: {  	s30 =	sld [smem:$0x0];
	_ =	sdelay $0x2  }
0xb9: {  	s31 =	sshll.u32 s1, $0xD;
	s1 =	sshrl.u32 s1, $0x2  }
0xba: {  	s3 =	sand.u32 $0x4000, s31;
	s1 =	sadd.s32 s1, s30  }
0xbb: {  	s0 =	sor.u32 s3, s0;
	s1 =	sshll.u32 s1, $0x11  }
0xbc: {  	s0 =	sor.u32 s1, s0  }
0xbd: {  	s0 =	sadd.s32 $0x8F2B, s0  }
0xbe: {  	[sflag:s0] =	ssyncadd.remote.s32 $0x1  }
0xbf: {  	_ =	sfence.sel $0xFFFF  }
0xc0: {  	[dreg:$0x0] =	wrdreg $0xFFFFFFFF;
	(pc) =	sbr.abs _section_cstart, $3  }
0xc1: {  	[dreg:$0x1] =	wrdreg $0xFFFFFFFF  }
0xc2: {  	_ =	task.clear_ibuf [dreg:s7], $0x2FFFF;
	_ =	strace $0x9FFFFFFF  }
0xc3: {  	(tm) =	ssettm $0x7FFFFFFF  }
tec
execute0_lowered:
.L_overlay_start_1:
0x0: {  	(tag) =	ssettag $0x1  }
0x1: {  	s4 =	rddreg [dreg:$0x0]  }
0x2: {  	s0 =	srdreg.scid;
	s6 =	rddreg [dreg:$0x1]  }
0x3: {  	s2 =	rddreg [dreg:$0x2];
	s1 =	stileid.u32  }
0x4: {  	s3 =	simm.s32 $0x0;
	s11 =	simm.s32 $0x80;
	s12 =	simm.s32 $0x2A80  }
0x5: {  	s15 =	simm.s32 $0x20;
	s16 =	simm.s32 $0x10;
	s17 =	simm.s32 $0x0  }
0x6: {  	s5 =	sand.u32 $0x1, s0;
	s0 =	rddreg [dreg:$0x3];
	s8 =	smul.u32 $0x500, s1  }
0x7: {  	[smem:$0x7FF] =	sst s3;
	s10 =	smul.u32 $0xA00, s1;
	s13 =	sshll.u32 s1, $0x6  }
0x8: {  	s7 =	sshll.u32 s5, $0x4;
	_ =	strace $0x80000047;
	s9 =	ssub.s32 $0x2, s5  }
0x9: {  	s5 =	sshll.u32 s5, $0x7;
	s13 =	sor.u32 $0x1C01, s13;
	s7 =	sor.u32 s1, s7  }
0xa: {  	s28 =	sshrl.u32 s9, $0x1;
	s5 =	sor.u32 s5, s8;
	s30 =	sshrl.u32 s10, $0x2  }
0xb: {  	s8 =	simm.s32 $0x2B00;
	s10 =	simm.s32 $0x280;
	s7 =	smul.u32 $0x500, s7  }
0xc: {  	s29 =	ssub.s32 s9, s28;
	s31 =	sshrl.u32 s5, $0x3;
	s9 =	simm.s32 $0x1  }
0xd: {  	s6 =	sadd.s32 s6, s31;
	s7 =	sadd.s32 s7, s4;
	s4 =	sadd.s32 s30, s2  }
0xe: {  	v0 =	vimm.f32 $0.0e+00;
	v1 =	vimm.f32 $1.000000000e+00;
	s5 =	sadd.s32 $0x2000, s7;
	s7 =	smax.u32 s29, $0x1;
	s14 =	sshrl.u32 s4, $0x3  }
.LBB2_1:
0xf: {  	[tilespmem:$0x2B00] =	vst v0  }
0x10: {  	[tilespmem:$0x2B10] =	vst v0  }
0x11: {  	[tilespmem:$0x2B20] =	vst v0  }
0x12: {  	[tilespmem:$0x2B30] =	vst v0  }
0x13: {  	[tilespmem:$0x2B40] =	vst v0  }
0x14: {  	[tilespmem:$0x2B50] =	vst v0  }
0x15: {  	[tilespmem:$0x2B60] =	vst v0  }
0x16: {  	[tilespmem:$0x2B70] =	vst v0  }
0x17: {  	[tilespmem:$0x2B80] =	vst v0  }
0x18: {  	[tilespmem:$0x2B90] =	vst v0  }
0x19: {  	[tilespmem:$0x2BA0] =	vst v0  }
0x1a: {  	[tilespmem:$0x2BB0] =	vst v0  }
0x1b: {  	[tilespmem:$0x2BC0] =	vst v0  }
0x1c: {  	[tilespmem:$0x2BD0] =	vst v0  }
0x1d: {  	[tilespmem:$0x2BE0] =	vst v0  }
0x1e: {  	[tilespmem:$0x2BF0] =	vst v0  }
0x1f: {  	[tilespmem:$0x2C00] =	vst v0  }
0x20: {  	[tilespmem:$0x2C10] =	vst v0  }
0x21: {  	[tilespmem:$0x2C20] =	vst v0  }
0x22: {  	[tilespmem:$0x2C30] =	vst v0  }
0x23: {  	[tilespmem:$0x2C40] =	vst v0  }
0x24: {  	[tilespmem:$0x2C50] =	vst v0  }
0x25: {  	[tilespmem:$0x2C60] =	vst v0  }
0x26: {  	[tilespmem:$0x2C70] =	vst v0  }
0x27: {  	[tilespmem:$0x2C80] =	vst v0  }
0x28: {  	[tilespmem:$0x2C90] =	vst v0  }
0x29: {  	[tilespmem:$0x2CA0] =	vst v0  }
0x2a: {  	[tilespmem:$0x2CB0] =	vst v0  }
0x2b: {  	[tilespmem:$0x2CC0] =	vst v0  }
0x2c: {  	[tilespmem:$0x2CD0] =	vst v0  }
0x2d: {  	[tilespmem:$0x2CE0] =	vst v0  }
0x2e: {  	[tilespmem:$0x2CF0] =	vst v0  }
0x2f: {  	[tilespmem:$0x2D00] =	vst v0  }
0x30: {  	[tilespmem:$0x2D10] =	vst v0  }
0x31: {  	[tilespmem:$0x2D20] =	vst v0  }
0x32: {  	[tilespmem:$0x2D30] =	vst v0  }
0x33: {  	[tilespmem:$0x2D40] =	vst v0  }
0x34: {  	[tilespmem:$0x2D50] =	vst v0  }
0x35: {  	[tilespmem:$0x2D60] =	vst v0  }
0x36: {  	[tilespmem:$0x2D70] =	vst v0  }
0x37: {  	[tilespmem:$0x2A80] =	vst v1  }
0x38: {  	[tilespmem:$0x2A90] =	vst v1  }
0x39: {  	[tilespmem:$0x2AA0] =	vst v1  }
0x3a: {  	[tilespmem:$0x2AB0] =	vst v1  }
0x3b: {  	[tilespmem:$0x2AC0] =	vst v1  }
0x3c: {  	[tilespmem:$0x2AD0] =	vst v1  }
0x3d: {  	[tilespmem:$0x2AE0] =	vst v1  }
0x3e: {  	[tilespmem:$0x2AF0] =	vst v1  }
0x3f: {  	[spmem:s4] =	stream.linear.scatter [tilespmem:s8], [sflag:$0x1], $0x280, $0x38;
	[tilespmem:$0x2D80] =	vst v63  }
0x40: {  	_ =	swait.ge [sflag:s9], $0x280  }
0x41: {  	[sflag:s9] =	ssyncset.done $0x0  }
0x42: {  	[sflag:s9] =	ssyncadd.s32 $0xFFFFFD80  }
0x43: {  	[tilespmem:s10], [sflag:$0x1] =	stream.linear.gather [hbm4b:s5+s3], $0x2800, $0x38;
	[tilespmem:$0x2D80] =	vst v63  }
0x44: {  	_ =	swait.ge [sflag:s9], $0x2800  }
0x45: {  	[sflag:s9] =	ssyncset.done $0x0  }
0x46: {  	[sflag:s9] =	ssyncadd.s32 $0xFFFFD800  }
0x47: {  	s18 =	simm.s32 $0x280;
	[bflag:$0x0] =	sbarrier.arrive $0xFFFF  }
0x48: {  	[spmem:s2] =	stream.indirect.scatter.add.f32 [tilespmem:s12], [sflag:$0x1], $0x1, s18, s11, $0xb8;
	[tilespmem:$0x2D80] =	vst v63  }
0x49: {  	s18 =	simm.s32 $0x200;
	_ =	swait.ge [sflag:s9], $0x80  }
.LBB2_2:
0x4a: {  	s19 =	sshra.s32 s18, $0x2;
	[sflag:s9] =	ssyncset.done $0x0;
	p0 =	sne.s32 s18, $0x9E00  }
.Ltmp0:
0x4b: {  	s19 =	sadd.s32 $0x280, s19;
	[sflag:s9] =	ssyncadd.s32 $0xFFFFFF80;
	(pc) =	sbr.rel @p0 .LBB2_2-.Ltmp0, $3  }
0x4c: {  	[spmem:s2] =	stream.indirect.scatter.add.f32 [tilespmem:s12], [sflag:$0x1], $0x1, s19, s11, $0xb8;
	[tilespmem:$0x2D80] =	vst v63  }
0x4d: {  	s18 =	sadd.s32 $0x200, s18;
	_ =	sdelay $0x1  }
0x4e: {  	_ =	swait.ge [sflag:s9], $0x80  }
0x4f: {  	[sflag:s9] =	ssyncset.done $0x0;
	s17 =	sadd.s32 $0x1, s17  }
0x50: {  	[sflag:s9] =	ssyncadd.s32 $0xFFFFFF80;
	p0 =	sne.s32 s17, s7  }
.Ltmp1:
0x51: {  	[bflag:$0x0] =	sbarrier.arrive $0xFFFF;
	(pc) =	sbr.rel @p0 .LBB2_1-.Ltmp1, $4  }
0x52: {  	[hbm:s6@s15], [sflag:s13] =	dma.strided [spmem:s14@s16], $0x50, s9, $0x10   }
0x53: {  	_ =	swait.ge [sflag:s9], $0x50  }
0x54: {  	[sflag:s9] =	ssyncset.done $0x0  }
0x55: {  	[sflag:s9] =	ssyncadd.s32 $0xFFFFFFB0  }
0x56: {  	_ =	sfence.sel $0x180000  }
0x57: {  	[bflag:$0x0] =	sbarrier.arrive $0xFFFF  }
0x58: {  	p0 =	sne.s32 s1, $0x0;
	_ =	strace $0x90000047  }
0x59: {  	s0 =	sadd.s32 @!p0 $0x100000, s0;
	[bflag:$0x2] =	sbarrier.arrive $0xFFFF  }
0x5a: {  	[sflag:s0] =	ssyncadd.tile.s32 @!p0 $0x1;
	_ =	shalt  }
.Lfunc_end2:
_tile_overlayer_lowered:
.L_overlay_start_2:
0x5b: {  	(tag) =	ssettag $0x2  }
0x5c: {  	s0 =	rddreg [dreg:$0x0];
	s2 =	stileid.u32  }
0x5d: {  	s1 =	rddreg [dreg:$0x1];
	p0 =	sne.s32 s2, $0x0  }
0x5e: {  	s3 =	rddreg [dreg:$0x2];
	[bflag:$0x3] =	sbarrier.arrive $0xFFFF;
	s2 =	simm.s32 @!p0 $0x1C01  }
0x5f: {  	[timem:s3], [sflag:s2] =	dma.local @!p0 [hbm:s0], s1  }
0x60: {  	s0 =	simm.s32 @!p0 $0x1  }
0x61: {  	_ =	swait.ge @!p0 [sflag:s0], s1  }
0x62: {  	s1 =	ssub.s32 @!p0 $0x0, s1;
	[sflag:s0] =	ssyncset.done @!p0 $0x0  }
0x63: {  	[sflag:s0] =	ssyncadd.s32 @!p0 s1  }
0x64: {  	[bflag:$0x3] =	sbarrier.arrive $0xFFFF  }
0x65: {  	_ =	shalt  }

// kernel: kernel.9.cloned.1.call-start
scs
__scs_entry_jumppad:
0x0: {  	(pc) =	sbr.rel $0x88, $3  }
0x1: {  	(tag) =	ssettag $0x0;
	lr =	simm.s32 $0x1  }
0x2: {  	[smem:$0x3F9B] =	sst lr;
	_ =	strace $0xD0000000  }
0x3: {  	_ = 	snop  }
0x4: {  	_ = 	snop  }
0x5: {  	_ = 	snop  }
0x6: {  	_ = 	snop  }
0x7: {  	_ = 	snop  }
__scs_overlays_trampoline_lowered:
0x8: {  	[smem:$0x3FAA] =	sst s0  }
0x9: {  	[smem:$0x3FAB] =	sst s1  }
0xa: {  	[smem:$0x3FAC] =	sst s2  }
0xb: {  	[smem:$0x3FAD] =	sst s3  }
0xc: {  	[smem:$0x3FAE] =	sst s4  }
0xd: {  	[smem:$0x3FAF] =	sst s5  }
0xe: {  	[smem:$0x3FB0] =	sst s6  }
0xf: {  	[smem:$0x3FB1] =	sst s7  }
0x10: {  	[smem:$0x3FB2] =	sst s8  }
0x11: {  	[smem:$0x3FB3] =	sst s9;
	s0 =	simm.s32 @!p0 $0x0  }
0x12: {  	s1 =	sld [smem:$0x3F99];
	s0 =	simm.s32 @p0 $0x1  }
0x13: {  	[smem:$0x3FB4] =	sst s0;
	s0 =	simm.s32 @!p1 $0x0  }
0x14: {  	s2 =	sld [smem:$0x3F98];
	s0 =	simm.s32 @p1 $0x1  }
0x15: {  	[smem:$0x3FB5] =	sst s0;
	s0 =	simm.s32 @!p2 $0x0  }
0x16: {  	s3 =	sld [smem:$0x3FDB];
	s0 =	simm.s32 @p2 $0x1  }
0x17: {  	s4 =	simm.s32 $0x1BF5;
	[smem:$0x3FB7] =	sst s0  }
0x18: {  	s0 =	sld [smem:$0x3F9A];
	_ =	swait.ge [sflag:s4], $0x0  }
0x19: {  	s7 =	sld [smem:$0x3F9B]  }
0x1a: {  	s8 =	sadd.s32 $0xFFFFE003, lr  }
0x1b: {  	s9 =	sadd.s32 $0xFFFFFEF7, lr;
	s5 =	simm.s32 $0xFFFFFFFF;
	p2 =	slt.u32 s8, $0xFFFFF086  }
0x1c: {  	p1 =	slt.u32 s9, $0xF7A;
	s5 =	simm.s32 @!p2 $0x0  }
0x1d: {  	s5 =	simm.s32 @p1 $0x1;
	p0 =	seq.s32 s7, s2  }
0x1e: {  	s7 =	smul.u32 @!p0 $0xF7A, s2;
	p2 =	seq.s32 @!p0 s5, $0x0  }
0x1f: {  	s9 =	smul.u32 $0xF7A, s1;
	s8 =	simm.s32 @!p0 $0x1BF5;
	p2 =	por !p2, p0  }
0x20: {  	[sflag:s8] =	ssyncset.s32 @!p0 $0xFFFFF086;
	s6 =	sadd.s32 @!p0 s3, s7;
	s7 =	simm.s32 @!p0 $0x108  }
0x21: {  	s3 =	sadd.s32 s3, s9;
	s6 =	sadd.s32 @!p0 $0x88, s6;
	s7 =	simm.s32 @p2 $0x1082  }
0x22: {  	[simem:s7], [sflag:s8] =	dma.local @!p0 [hbm:s6], $0xF7A  }
0x23: {  	s9 =	sor.u32 $0xD0000000, s2;
	s6 =	simm.s32 $0x108;
	_ =	swait.ge @!p0 [sflag:s8], $0x0  }
0x24: {  	s3 =	sadd.s32 $0x88, s3;
	s6 =	simm.s32 @!p1 $0x1082;
	[sflag:s4] =	ssyncset.s32 $0xFFFFF086  }
0x25: {  	[simem:s6], [sflag:s4] =	dma.local [hbm:s3], $0xF7A  }
0x26: {  	[smem:$0x3F9B] =	sst s1;
	(tag) =	ssettag s2;
	_ =	strace s9  }
0x27: {  	s1 =	sld [smem:$0x3FAB]  }
0x28: {  	s2 =	sld [smem:$0x3FAC]  }
0x29: {  	s4 =	sld [smem:$0x3FAE]  }
0x2a: {  	p0 =	seq.s32 s5, $0x0;
	s5 =	sld [smem:$0x3FAF]  }
0x2b: {  	s6 =	sld [smem:$0x3FB0]  }
0x2c: {  	s7 =	sld [smem:$0x3FB1]  }
0x2d: {  	s3 =	simm.s32 $0x108;
	s8 =	sld [smem:$0x3FB2]  }
0x2e: {  	s3 =	simm.s32 @!p0 $0x1082;
	s9 =	sld [smem:$0x3FB3]  }
0x2f: {  	lr =	sadd.s32 s0, s3;
	s0 =	sld [smem:$0x3FAA]  }
0x30: {  	s3 =	sld [smem:$0x3FAD]  }
0x31: {  	[smem:$0x3FB6] =	sst s10  }
0x32: {  	s10 =	sld [smem:$0x3FB4];
	_ =	sdelay $0x3  }
0x33: {  	p0 =	seq.s32 s10, $0x1;
	s10 =	sld [smem:$0x3FB6];
	_ =	sdelay $0x3  }
0x34: {  	[smem:$0x3FB6] =	sst s10  }
0x35: {  	s10 =	sld [smem:$0x3FB5];
	_ =	sdelay $0x3  }
0x36: {  	p1 =	seq.s32 s10, $0x1;
	s10 =	sld [smem:$0x3FB6];
	_ =	sdelay $0x3  }
0x37: {  	[smem:$0x3FB6] =	sst s10  }
0x38: {  	s10 =	sld [smem:$0x3FB7]  }
0x39: {  	_ = 	snop;
	(pc) =	sbr.ind lr, $3  }
0x3a: {  	_ = 	snop  }
0x3b: {  	_ = 	snop  }
0x3c: {  	p2 =	seq.s32 s10, $0x1;
	s10 =	sld [smem:$0x3FB6]  }
0x3d: {  	_ =	shalt  }
0x3e: {  	_ =	shalt  }
0x3f: {  	_ =	shalt  }
0x40: {  	_ =	shalt  }
0x41: {  	_ =	shalt  }
0x42: {  	_ =	shalt  }
0x43: {  	_ =	shalt  }
0x44: {  	_ =	shalt  }
0x45: {  	_ =	shalt  }
0x46: {  	_ =	shalt  }
0x47: {  	_ =	shalt  }
0x48: {  	_ =	shalt  }
0x49: {  	_ =	shalt  }
0x4a: {  	_ =	shalt  }
0x4b: {  	_ =	shalt  }
0x4c: {  	_ =	shalt  }
0x4d: {  	_ =	shalt  }
0x4e: {  	_ =	shalt  }
0x4f: {  	_ =	shalt  }
0x50: {  	_ =	shalt  }
0x51: {  	_ =	shalt  }
0x52: {  	_ =	shalt  }
0x53: {  	_ =	shalt  }
0x54: {  	_ =	shalt  }
0x55: {  	_ =	shalt  }
0x56: {  	_ =	shalt  }
0x57: {  	_ =	shalt  }
0x58: {  	_ =	shalt  }
0x59: {  	_ =	shalt  }
0x5a: {  	_ =	shalt  }
0x5b: {  	_ =	shalt  }
0x5c: {  	_ =	shalt  }
0x5d: {  	_ =	shalt  }
0x5e: {  	_ =	shalt  }
0x5f: {  	_ =	shalt  }
0x60: {  	_ =	shalt  }
0x61: {  	_ =	shalt  }
0x62: {  	_ =	shalt  }
0x63: {  	_ =	shalt  }
0x64: {  	_ =	shalt  }
0x65: {  	_ =	shalt  }
0x66: {  	_ =	shalt  }
0x67: {  	_ =	shalt  }
0x68: {  	_ =	shalt  }
0x69: {  	_ =	shalt  }
0x6a: {  	_ =	shalt  }
0x6b: {  	_ =	shalt  }
0x6c: {  	_ =	shalt  }
0x6d: {  	_ =	shalt  }
0x6e: {  	_ =	shalt  }
0x6f: {  	_ =	shalt  }
0x70: {  	_ =	shalt  }
0x71: {  	_ =	shalt  }
0x72: {  	_ =	shalt  }
0x73: {  	_ =	shalt  }
0x74: {  	_ =	shalt  }
0x75: {  	_ =	shalt  }
0x76: {  	_ =	shalt  }
0x77: {  	_ =	shalt  }
0x78: {  	_ =	shalt  }
0x79: {  	_ =	shalt  }
0x7a: {  	_ =	shalt  }
0x7b: {  	_ =	shalt  }
0x7c: {  	_ =	shalt  }
0x7d: {  	_ =	shalt  }
0x7e: {  	_ =	shalt  }
0x7f: {  	_ =	shalt  }
0x80: {  	_ =	shalt  }
0x81: {  	_ =	shalt  }
0x82: {  	_ =	shalt  }
0x83: {  	_ =	shalt  }
0x84: {  	_ =	shalt  }
0x85: {  	_ =	shalt  }
0x86: {  	_ =	shalt  }
0x87: {  	_ =	shalt  }
.Lfunc_end0:
.L_simem_size_0:
called_computation.1_lowered:
.L_overlay_start_0:
0x88: {  	s2 =	sld [smem:$0x3FD9]  }
0x89: {  	s3 =	sld [smem:$0x3FFE];
	_ =	sdelay $0x1  }
0x8a: {  	s1 =	srdreg.scid  }
0x8b: {  	s0 =	sand.u32 $0x1, s1  }
0x8c: {  	s17 =	sshll.u32 s0, $0xA;
	s2 =	sadd.s32 s3, s2  }
0x8d: {  	s2 =	sadd.s32 s2, s17  }
0x8e: {  	[smem:$0x3FC2] =	sst s2  }
0x8f: {  	_ = 	snop  }
0x90: {  	s2 =	sld [smem:$0x3FD0];
	(tm) =	ssettm $0x1  }
0x91: {  	s18 =	sld [smem:$0x3FFB];
	_ =	sdelay $0x3  }
0x92: {  	_ =	strace s18  }
0x93: {  	s3 =	sld [smem:$0x3FFC];
	_ =	sdelay $0x3  }
0x94: {  	_ =	strace s3  }
0x95: {  	s3 =	sld [smem:$0x3FFD];
	_ =	sdelay $0x3  }
0x96: {  	_ =	strace s3  }
0x97: {  	_ =	strace $0x8FFFFFFF  }
0x98: {  	s19 =	sld [smem:$0x3FDB];
	_ =	sdelay $0x1  }
0x99: {  	s4 =	simm.s32 $_scs_section_size  }
0x9a: {  	s5 =	simm.s32 $_size__tile_overlayer_lowered;
	s6 =	simm.s32 $_tile_overlayer_lowered  }
0x9b: {  	s22 =	simm.s32 $0x1BFF;
	s21 =	sshll.u32 s6, $0x1;
	s3 =	sadd.s32 s4, s19  }
0x9c: {  	s7 =	simm.s32 $0x0;
	s20 =	sshll.u32 s5, $0x1;
	s5 =	sadd.s32 s21, s3  }
0x9d: {  	[timem:s7], [sflag:s22] =	dma.local [hbm:s5], s20  }
0x9e: {  	_ =	swait.ge [sflag:s22], s20  }
0x9f: {  	s4 =	ssub.s32 $0x0, s20;
	[sflag:s22] =	ssyncset.done $0x0  }
0xa0: {  	[sflag:s22] =	ssyncadd.s32 s4;
	_ =	sdelay $0x1  }
0xa1: {  	s23 =	simm.s32 $0x1B8B  }
0xa2: {  	_ =	swait.ge [sflag:s23], $0x1  }
0xa3: {  	[sflag:s23] =	ssyncset.done $0x0  }
0xa4: {  	s25 =	simm.s32 $0x1B8E;
	s24 =	sld [smem:$0x3FFE];
	[sflag:s23] =	ssyncadd.s32 $0xFFFFFFFF  }
0xa5: {  	s26 =	simm.s32 $execute0_lowered;
	[smem:$0x3FD2] =	sst s25  }
0xa6: {  	s5 =	sshll.u32 s26, $0x1;
	_ =	strace $0x80000049;
	[dreg:$0x1] =	wrdreg $0xFFFFFFFF  }
0xa7: {  	s28 =	simm.s32 $_size_execute0_lowered;
	s3 =	sadd.s32 s3, s5;
	[dreg:$0x0] =	wrdreg $0x0  }
0xa8: {  	s5 =	sshll.u32 s28, $0x1;
	[dreg:$0x2] =	wrdreg s3  }
0xa9: {  	[dreg:$0x3] =	wrdreg s5  }
0xaa: {  	[dreg:$0x4] =	wrdreg $0xC0  }
0xab: {  	_ =	task [dreg:s7], $0x5FFFF  }
0xac: {  	[dreg:$0x1] =	wrdreg $0xFFFFFFFF  }
0xad: {  	[dreg:$0x0] =	wrdreg $0x60  }
0xae: {  	[dreg:$0x2] =	wrdreg s2  }
0xaf: {  	[dreg:$0x3] =	wrdreg s24  }
0xb0: {  	[dreg:$0x4] =	wrdreg $0x0  }
0xb1: {  	[dreg:$0x5] =	wrdreg $0x9  }
0xb2: {  	_ =	task.clear_ibuf [dreg:s7], $0x6FFFF;
	_ =	strace $0x90000049  }
0xb3: {  	s29 =	simm.s32 $0x9;
	_ =	strace $0x8000004B  }
0xb4: {  	_ =	swait.ge [sflag:s29], $0x1  }
0xb5: {  	[sflag:s29] =	ssyncadd.s32 $0xFFFFFFFF  }
0xb6: {  	_ =	strace $0x9000004B  }
0xb7: {  	_ =	sfence  }
0xb8: {  	s30 =	sld [smem:$0x0];
	_ =	sdelay $0x2  }
0xb9: {  	s31 =	sshll.u32 s1, $0xD;
	s1 =	sshrl.u32 s1, $0x2  }
0xba: {  	s3 =	sand.u32 $0x4000, s31;
	s1 =	sadd.s32 s1, s30  }
0xbb: {  	s0 =	sor.u32 s3, s0;
	s1 =	sshll.u32 s1, $0x11  }
0xbc: {  	s0 =	sor.u32 s1, s0  }
0xbd: {  	s0 =	sadd.s32 $0x8F2B, s0  }
0xbe: {  	[sflag:s0] =	ssyncadd.remote.s32 $0x1  }
0xbf: {  	_ =	sfence.sel $0xFFFF  }
0xc0: {  	[dreg:$0x0] =	wrdreg $0xFFFFFFFF;
	(pc) =	sbr.abs _section_cstart, $3  }
0xc1: {  	[dreg:$0x1] =	wrdreg $0xFFFFFFFF  }
0xc2: {  	_ =	task.clear_ibuf [dreg:s7], $0x2FFFF;
	_ =	strace $0x9FFFFFFF  }
0xc3: {  	(tm) =	ssettm $0x7FFFFFFF  }
tec
execute0_lowered:
.L_overlay_start_1:
0x0: {  	(tag) =	ssettag $0x1  }
0x1: {  	s1 =	rddreg [dreg:$0x0]  }
0x2: {  	s5 =	rddreg [dreg:$0x1]  }
0x3: {  	s2 =	rddreg [dreg:$0x2]  }
0x4: {  	s3 =	srdreg.scid;
	s0 =	rddreg [dreg:$0x3]  }
0x5: {  	s4 =	simm.s32 $0x0;
	s14 =	simm.s32 $0x13C00;
	s15 =	simm.s32 $0x15000  }
0x6: {  	s16 =	simm.s32 $0x80;
	s17 =	simm.s32 $0x16400;
	s18 =	simm.s32 $0x13C80  }
0x7: {  	s19 =	simm.s32 $0x1A400;
	s20 =	simm.s32 $0x1;
	s21 =	simm.s32 $0x2  }
0x8: {  	s22 =	simm.s32 $0x16300;
	s6 =	sand.u32 $0x1, s3;
	s3 =	stileid.u32  }
0x9: {  	s23 =	simm.s32 $0x16380;
	[smem:$0x7FF] =	sst s4;
	s7 =	smul.u32 $0x13C000, s6  }
0xa: {  	s9 =	sadd.s32 $0xC000, s5;
	s12 =	sadd.s32 $0x2000, s5;
	s8 =	smul.u32 $0x13C00, s3  }
0xb: {  	s10 =	sshll.u32 s6, $0x4;
	s26 =	smul.u32 $0x4F000, s3;
	s6 =	ssub.s32 $0x2, s6  }
0xc: {  	_ =	strace $0x8000004A;
	s25 =	sor.u32 s3, s10;
	s28 =	sshrl.u32 s6, $0x1  }
0xd: {  	s7 =	sadd.s32 s8, s7;
	s11 =	smul.u32 $0x2800, s25;
	s29 =	sshrl.u32 s26, $0x2  }
0xe: {  	s8 =	smul.u32 $0x500, s25;
	s31 =	ssub.s32 s6, s28;
	s7 =	sshrl.u32 s7, $0x3  }
0xf: {  	s13 =	sadd.s32 s7, s5;
	s30 =	sshrl.u32 s11, $0x3;
	s5 =	sadd.s32 s29, s2  }
0x10: {  	s6 =	sadd.s32 s9, s8;
	s7 =	sadd.s32 s12, s8;
	s10 =	sadd.s32 $0x280, s30  }
0x11: {  	s11 =	smax.u32 s31, $0x1;
	s8 =	sadd.s32 s9, s10;
	s9 =	sadd.s32 s12, s10  }
0x12: {  	v0 =	vimm.f32 $0.0e+00;
	s10 =	sadd.s32 $0x16000, s13;
	s12 =	simm.s32 $0x1E400;
	s13 =	simm.s32 $0x3  }
.LBB2_1:
0x13: {  	[tilespmem:$0x1E400] =	vst v0  }
0x14: {  	[tilespmem:$0x1E410] =	vst v0  }
0x15: {  	[tilespmem:$0x1E420] =	vst v0  }
0x16: {  	[tilespmem:$0x1E430] =	vst v0  }
0x17: {  	[tilespmem:$0x1E440] =	vst v0  }
0x18: {  	[tilespmem:$0x1E450] =	vst v0  }
0x19: {  	[tilespmem:$0x1E460] =	vst v0  }
0x1a: {  	[tilespmem:$0x1E470] =	vst v0  }
0x1b: {  	[tilespmem:$0x1E480] =	vst v0  }
0x1c: {  	[tilespmem:$0x1E490] =	vst v0  }
0x1d: {  	[tilespmem:$0x1E4A0] =	vst v0  }
0x1e: {  	[tilespmem:$0x1E4B0] =	vst v0  }
0x1f: {  	[tilespmem:$0x1E4C0] =	vst v0  }
0x20: {  	[tilespmem:$0x1E4D0] =	vst v0  }
0x21: {  	[tilespmem:$0x1E4E0] =	vst v0  }
0x22: {  	[tilespmem:$0x1E4F0] =	vst v0  }
0x23: {  	[tilespmem:$0x1E500] =	vst v0  }
0x24: {  	[tilespmem:$0x1E510] =	vst v0  }
0x25: {  	[tilespmem:$0x1E520] =	vst v0  }
0x26: {  	[tilespmem:$0x1E530] =	vst v0  }
0x27: {  	[tilespmem:$0x1E540] =	vst v0  }
0x28: {  	[tilespmem:$0x1E550] =	vst v0  }
0x29: {  	[tilespmem:$0x1E560] =	vst v0  }
0x2a: {  	[tilespmem:$0x1E570] =	vst v0  }
0x2b: {  	[tilespmem:$0x1E580] =	vst v0  }
0x2c: {  	[tilespmem:$0x1E590] =	vst v0  }
0x2d: {  	[tilespmem:$0x1E5A0] =	vst v0  }
0x2e: {  	[tilespmem:$0x1E5B0] =	vst v0  }
0x2f: {  	[tilespmem:$0x1E5C0] =	vst v0  }
0x30: {  	[tilespmem:$0x1E5D0] =	vst v0  }
0x31: {  	[tilespmem:$0x1E5E0] =	vst v0  }
0x32: {  	[tilespmem:$0x1E5F0] =	vst v0  }
0x33: {  	[tilespmem:$0x1E600] =	vst v0  }
0x34: {  	[tilespmem:$0x1E610] =	vst v0  }
0x35: {  	[tilespmem:$0x1E620] =	vst v0  }
0x36: {  	[tilespmem:$0x1E630] =	vst v0  }
0x37: {  	[tilespmem:$0x1E640] =	vst v0  }
0x38: {  	[tilespmem:$0x1E650] =	vst v0  }
0x39: {  	[tilespmem:$0x1E660] =	vst v0  }
0x3a: {  	[tilespmem:$0x1E670] =	vst v0  }
0x3b: {  	[tilespmem:$0x1E680] =	vst v0  }
0x3c: {  	[tilespmem:$0x1E690] =	vst v0  }
0x3d: {  	[tilespmem:$0x1E6A0] =	vst v0  }
0x3e: {  	[tilespmem:$0x1E6B0] =	vst v0  }
0x3f: {  	[tilespmem:$0x1E6C0] =	vst v0  }
0x40: {  	[tilespmem:$0x1E6D0] =	vst v0  }
0x41: {  	[tilespmem:$0x1E6E0] =	vst v0  }
0x42: {  	[tilespmem:$0x1E6F0] =	vst v0  }
0x43: {  	[tilespmem:$0x1E700] =	vst v0  }
0x44: {  	[tilespmem:$0x1E710] =	vst v0  }
0x45: {  	[tilespmem:$0x1E720] =	vst v0  }
0x46: {  	[tilespmem:$0x1E730] =	vst v0  }
0x47: {  	[tilespmem:$0x1E740] =	vst v0  }
0x48: {  	[tilespmem:$0x1E750] =	vst v0  }
0x49: {  	[tilespmem:$0x1E760] =	vst v0  }
0x4a: {  	[tilespmem:$0x1E770] =	vst v0  }
0x4b: {  	[tilespmem:$0x1E780] =	vst v0  }
0x4c: {  	[tilespmem:$0x1E790] =	vst v0  }
0x4d: {  	[tilespmem:$0x1E7A0] =	vst v0  }
0x4e: {  	[tilespmem:$0x1E7B0] =	vst v0  }
0x4f: {  	[tilespmem:$0x1E7C0] =	vst v0  }
0x50: {  	[tilespmem:$0x1E7D0] =	vst v0  }
0x51: {  	[tilespmem:$0x1E7E0] =	vst v0  }
0x52: {  	[tilespmem:$0x1E7F0] =	vst v0;
	s24 =	sadd.s32 $0x0, s5  }
0x53: {  	[spmem:s24] =	stream.linear.scatter [tilespmem:s12], [sflag:$0x3], $0x400, $0x38;
	[tilespmem:$0x1E800] =	vst v63  }
0x54: {  	s24 =	simm.s32 $0x1000;
	_ =	swait.ge [sflag:s13], $0x400  }
.LBB2_2:
0x55: {  	s25 =	sshra.s32 s24, $0x2;
	[sflag:s13] =	ssyncset.done $0x0;
	p0 =	sne.s32 s24, $0x4E000  }
.Ltmp0:
0x56: {  	s25 =	sadd.s32 s25, s5;
	[sflag:s13] =	ssyncadd.s32 $0xFFFFFC00;
	(pc) =	sbr.rel @p0 .LBB2_2-.Ltmp0, $3  }
0x57: {  	[spmem:s25] =	stream.linear.scatter [tilespmem:s12], [sflag:$0x3], $0x400, $0x38;
	[tilespmem:$0x1E800] =	vst v63  }
0x58: {  	s24 =	sadd.s32 $0x1000, s24;
	_ =	sdelay $0x1  }
0x59: {  	_ =	swait.ge [sflag:s13], $0x400  }
0x5a: {  	[sflag:s13] =	ssyncset.done $0x0  }
0x5b: {  	[sflag:s13] =	ssyncadd.s32 $0xFFFFFC00  }
0x5c: {  	s24 =	simm.s32 $0x0;
	[bflag:$0x0] =	sbarrier.arrive $0xFFFF  }
0x5d: {  	[tilespmem:s14], [sflag:$0x3] =	stream.linear.gather [hbm4b:s6+s24], $0x1400, $0x38;
	[tilespmem:$0x1E800] =	vst v63  }
0x5e: {  	_ =	swait.ge [sflag:s13], $0x1400  }
0x5f: {  	[sflag:s13] =	ssyncset.done $0x0  }
0x60: {  	[sflag:s13] =	ssyncadd.s32 $0xFFFFEC00  }
0x61: {  	[tilespmem:s15], [sflag:$0x3] =	stream.linear.gather [hbm4b:s7+s24], $0x1400, $0x38;
	[tilespmem:$0x1E800] =	vst v63  }
0x62: {  	_ =	swait.ge [sflag:s13], $0x1400  }
0x63: {  	[sflag:s13] =	ssyncset.done $0x0  }
0x64: {  	[sflag:s13] =	ssyncadd.s32 $0xFFFFEC00  }
0x65: {  	[tilespmem:s17], [sflag:$0x1] =	stream.indirect.gather [hbm4b:s1+s16], $0x80, s14, s16, $0xb8;
	[tilespmem:$0x1E800] =	vst v63  }
0x66: {  	_ = 	snop  }
0x67: {  	[tilespmem:s19], [sflag:$0x2] =	stream.indirect.gather [hbm4b:s1+s16], $0x80, s18, s16, $0xb8;
	[tilespmem:$0x1E800] =	vst v63  }
0x68: {  	_ =	swait.ge [sflag:s20], $0x4000  }
0x69: {  	[sflag:s20] =	ssyncset.done $0x0  }
0x6a: {  	s29 =	simm.s32 $0x15000;
	[sflag:s20] =	ssyncadd.s32 $0xFFFFC000  }
0x6b: {  	[spmem:s2] =	stream.indirect.scatter.add.f32 [tilespmem:s17], [sflag:$0x3], $0x80, s29, s16, $0xb8;
	[tilespmem:$0x1E800] =	vst v63  }
0x6c: {  	_ =	swait.ge [sflag:s13], $0x4000  }
0x6d: {  	[sflag:s13] =	ssyncset.done $0x0  }
0x6e: {  	s30 =	simm.s32 $0x13D00;
	[sflag:s13] =	ssyncadd.s32 $0xFFFFC000  }
0x6f: {  	[tilespmem:s17], [sflag:$0x1] =	stream.indirect.gather [hbm4b:s1+s16], $0x80, s30, s16, $0xb8;
	[tilespmem:$0x1E800] =	vst v63  }
0x70: {  	_ =	swait.ge [sflag:s21], $0x4000  }
0x71: {  	[sflag:s21] =	ssyncset.done $0x0  }
0x72: {  	s31 =	simm.s32 $0x15080;
	[sflag:s21] =	ssyncadd.s32 $0xFFFFC000  }
0x73: {  	[spmem:s2] =	stream.indirect.scatter.add.f32 [tilespmem:s19], [sflag:$0x3], $0x80, s31, s16, $0xb8;
	[tilespmem:$0x1E800] =	vst v63  }
0x74: {  	_ =	swait.ge [sflag:s13], $0x4000  }
0x75: {  	[sflag:s13] =	ssyncset.done $0x0  }
0x76: {  	s25 =	simm.s32 $0x13D80;
	s24 =	simm.s32 $0x400;
	[sflag:s13] =	ssyncadd.s32 $0xFFFFC000  }
.LBB2_4:
0x77: {  	[tilespmem:s19], [sflag:$0x2] =	stream.indirect.gather [hbm4b:s1+s16], $0x80, s25, s16, $0xb8;
	[tilespmem:$0x1E800] =	vst v63  }
0x78: {  	s25 =	smov.u32 s24  }
0x79: {  	p0 =	sne.s32 s24, $0x4800;
	s24 =	sadd.s32 $0x400, s24;
	_ =	swait.ge [sflag:s20], $0x4000  }
0x7a: {  	s25 =	sshra.s32 s25, $0x2;
	[sflag:s20] =	ssyncset.done $0x0  }
0x7b: {  	s26 =	sadd.s32 $0x15000, s25;
	[sflag:s20] =	ssyncadd.s32 $0xFFFFC000  }
0x7c: {  	[spmem:s2] =	stream.indirect.scatter.add.f32 [tilespmem:s17], [sflag:$0x3], $0x80, s26, s16, $0xb8;
	[tilespmem:$0x1E800] =	vst v63  }
0x7d: {  	_ =	swait.ge [sflag:s13], $0x4000  }
0x7e: {  	[sflag:s13] =	ssyncset.done $0x0  }
0x7f: {  	s26 =	sadd.s32 $0x13D00, s25;
	[sflag:s13] =	ssyncadd.s32 $0xFFFFC000  }
0x80: {  	[tilespmem:s17], [sflag:$0x1] =	stream.indirect.gather [hbm4b:s1+s16], $0x80, s26, s16, $0xb8;
	[tilespmem:$0x1E800] =	vst v63  }
0x81: {  	_ =	swait.ge [sflag:s21], $0x4000  }
0x82: {  	[sflag:s21] =	ssyncset.done $0x0  }
.Ltmp1:
0x83: {  	s26 =	sadd.s32 $0x15080, s25;
	[sflag:s21] =	ssyncadd.s32 $0xFFFFC000;
	(pc) =	sbr.rel @p0 .LBB2_4-.Ltmp1, $4  }
0x84: {  	[spmem:s2] =	stream.indirect.scatter.add.f32 [tilespmem:s19], [sflag:$0x3], $0x80, s26, s16, $0xb8;
	[tilespmem:$0x1E800] =	vst v63  }
0x85: {  	_ =	swait.ge [sflag:s13], $0x4000  }
0x86: {  	[sflag:s13] =	ssyncset.done $0x0  }
0x87: {  	s25 =	sadd.s32 $0x13D80, s25;
	[sflag:s13] =	ssyncadd.s32 $0xFFFFC000  }
0x88: {  	[tilespmem:s19], [sflag:$0x2] =	stream.indirect.gather [hbm4b:s1+s16], $0x80, s25, s16, $0xb8;
	[tilespmem:$0x1E800] =	vst v63  }
0x89: {  	_ =	swait.ge [sflag:s20], $0x4000  }
0x8a: {  	[sflag:s20] =	ssyncset.done $0x0  }
0x8b: {  	[sflag:s20] =	ssyncadd.s32 $0xFFFFC000  }
0x8c: {  	[spmem:s2] =	stream.indirect.scatter.add.f32 [tilespmem:s17], [sflag:$0x3], $0x80, s22, s16, $0xb8;
	[tilespmem:$0x1E800] =	vst v63  }
0x8d: {  	_ =	swait.ge [sflag:s13], $0x4000  }
0x8e: {  	[sflag:s13] =	ssyncset.done $0x0  }
0x8f: {  	[sflag:s13] =	ssyncadd.s32 $0xFFFFC000  }
0x90: {  	[tilespmem:s17], [sflag:$0x1] =	stream.indirect.gather [hbm4b:s1+s16], $0x80, s14, s16, $0xb8;
	[tilespmem:$0x1E800] =	vst v63  }
0x91: {  	_ =	swait.ge [sflag:s21], $0x4000  }
0x92: {  	[sflag:s21] =	ssyncset.done $0x0  }
0x93: {  	[sflag:s21] =	ssyncadd.s32 $0xFFFFC000  }
0x94: {  	[spmem:s2] =	stream.indirect.scatter.add.f32 [tilespmem:s19], [sflag:$0x3], $0x80, s23, s16, $0xb8;
	[tilespmem:$0x1E800] =	vst v63  }
0x95: {  	_ =	swait.ge [sflag:s13], $0x4000  }
0x96: {  	[sflag:s13] =	ssyncset.done $0x0  }
0x97: {  	[sflag:s13] =	ssyncadd.s32 $0xFFFFC000  }
0x98: {  	[tilespmem:s19], [sflag:$0x2] =	stream.indirect.gather [hbm4b:s1+s16], $0x80, s18, s16, $0xb8;
	[tilespmem:$0x1E800] =	vst v63  }
0x99: {  	_ =	swait.ge [sflag:s20], $0x4000  }
0x9a: {  	[sflag:s20] =	ssyncset.done $0x0  }
0x9b: {  	[sflag:s20] =	ssyncadd.s32 $0xFFFFC000  }
0x9c: {  	_ =	swait.ge [sflag:s21], $0x4000  }
0x9d: {  	[sflag:s21] =	ssyncset.done $0x0  }
0x9e: {  	s24 =	simm.s32 $0x0;
	[sflag:s21] =	ssyncadd.s32 $0xFFFFC000  }
0x9f: {  	[tilespmem:s14], [sflag:$0x3] =	stream.linear.gather [hbm4b:s8+s24], $0x1400, $0x38;
	[tilespmem:$0x1E800] =	vst v63  }
0xa0: {  	_ =	swait.ge [sflag:s13], $0x1400  }
0xa1: {  	[sflag:s13] =	ssyncset.done $0x0  }
0xa2: {  	[sflag:s13] =	ssyncadd.s32 $0xFFFFEC00  }
0xa3: {  	[tilespmem:s15], [sflag:$0x3] =	stream.linear.gather [hbm4b:s9+s24], $0x1400, $0x38;
	[tilespmem:$0x1E800] =	vst v63  }
0xa4: {  	_ =	swait.ge [sflag:s13], $0x1400  }
0xa5: {  	[sflag:s13] =	ssyncset.done $0x0  }
0xa6: {  	[sflag:s13] =	ssyncadd.s32 $0xFFFFEC00  }
0xa7: {  	[tilespmem:s17], [sflag:$0x1] =	stream.indirect.gather [hbm4b:s1+s16], $0x80, s14, s16, $0xb8;
	[tilespmem:$0x1E800] =	vst v63  }
0xa8: {  	_ = 	snop  }
0xa9: {  	[tilespmem:s19], [sflag:$0x2] =	stream.indirect.gather [hbm4b:s1+s16], $0x80, s18, s16, $0xb8;
	[tilespmem:$0x1E800] =	vst v63  }
0xaa: {  	_ =	swait.ge [sflag:s20], $0x4000  }
0xab: {  	[sflag:s20] =	ssyncset.done $0x0  }
0xac: {  	s29 =	simm.s32 $0x15000;
	[sflag:s20] =	ssyncadd.s32 $0xFFFFC000  }
0xad: {  	[spmem:s2] =	stream.indirect.scatter.add.f32 [tilespmem:s17], [sflag:$0x3], $0x80, s29, s16, $0xb8;
	[tilespmem:$0x1E800] =	vst v63  }
0xae: {  	_ =	swait.ge [sflag:s13], $0x4000  }
0xaf: {  	[sflag:s13] =	ssyncset.done $0x0  }
0xb0: {  	s30 =	simm.s32 $0x13D00;
	[sflag:s13] =	ssyncadd.s32 $0xFFFFC000  }
0xb1: {  	[tilespmem:s17], [sflag:$0x1] =	stream.indirect.gather [hbm4b:s1+s16], $0x80, s30, s16, $0xb8;
	[tilespmem:$0x1E800] =	vst v63  }
0xb2: {  	_ =	swait.ge [sflag:s21], $0x4000  }
0xb3: {  	[sflag:s21] =	ssyncset.done $0x0  }
0xb4: {  	s31 =	simm.s32 $0x15080;
	[sflag:s21] =	ssyncadd.s32 $0xFFFFC000  }
0xb5: {  	[spmem:s2] =	stream.indirect.scatter.add.f32 [tilespmem:s19], [sflag:$0x3], $0x80, s31, s16, $0xb8;
	[tilespmem:$0x1E800] =	vst v63  }
0xb6: {  	_ =	swait.ge [sflag:s13], $0x4000  }
0xb7: {  	[sflag:s13] =	ssyncset.done $0x0  }
0xb8: {  	s25 =	simm.s32 $0x13D80;
	s24 =	simm.s32 $0x400;
	[sflag:s13] =	ssyncadd.s32 $0xFFFFC000  }
.LBB2_6:
0xb9: {  	[tilespmem:s19], [sflag:$0x2] =	stream.indirect.gather [hbm4b:s1+s16], $0x80, s25, s16, $0xb8;
	[tilespmem:$0x1E800] =	vst v63  }
0xba: {  	s25 =	smov.u32 s24  }
0xbb: {  	p0 =	sne.s32 s24, $0x4800;
	s24 =	sadd.s32 $0x400, s24;
	_ =	swait.ge [sflag:s20], $0x4000  }
0xbc: {  	s25 =	sshra.s32 s25, $0x2;
	[sflag:s20] =	ssyncset.done $0x0  }
0xbd: {  	s26 =	sadd.s32 $0x15000, s25;
	[sflag:s20] =	ssyncadd.s32 $0xFFFFC000  }
0xbe: {  	[spmem:s2] =	stream.indirect.scatter.add.f32 [tilespmem:s17], [sflag:$0x3], $0x80, s26, s16, $0xb8;
	[tilespmem:$0x1E800] =	vst v63  }
0xbf: {  	_ =	swait.ge [sflag:s13], $0x4000  }
0xc0: {  	[sflag:s13] =	ssyncset.done $0x0  }
0xc1: {  	s26 =	sadd.s32 $0x13D00, s25;
	[sflag:s13] =	ssyncadd.s32 $0xFFFFC000  }
0xc2: {  	[tilespmem:s17], [sflag:$0x1] =	stream.indirect.gather [hbm4b:s1+s16], $0x80, s26, s16, $0xb8;
	[tilespmem:$0x1E800] =	vst v63  }
0xc3: {  	_ =	swait.ge [sflag:s21], $0x4000  }
0xc4: {  	[sflag:s21] =	ssyncset.done $0x0  }
.Ltmp2:
0xc5: {  	s26 =	sadd.s32 $0x15080, s25;
	[sflag:s21] =	ssyncadd.s32 $0xFFFFC000;
	(pc) =	sbr.rel @p0 .LBB2_6-.Ltmp2, $4  }
0xc6: {  	[spmem:s2] =	stream.indirect.scatter.add.f32 [tilespmem:s19], [sflag:$0x3], $0x80, s26, s16, $0xb8;
	[tilespmem:$0x1E800] =	vst v63  }
0xc7: {  	_ =	swait.ge [sflag:s13], $0x4000  }
0xc8: {  	[sflag:s13] =	ssyncset.done $0x0  }
0xc9: {  	s25 =	sadd.s32 $0x13D80, s25;
	[sflag:s13] =	ssyncadd.s32 $0xFFFFC000  }
0xca: {  	[tilespmem:s19], [sflag:$0x2] =	stream.indirect.gather [hbm4b:s1+s16], $0x80, s25, s16, $0xb8;
	[tilespmem:$0x1E800] =	vst v63  }
0xcb: {  	_ =	swait.ge [sflag:s20], $0x4000  }
0xcc: {  	[sflag:s20] =	ssyncset.done $0x0  }
0xcd: {  	[sflag:s20] =	ssyncadd.s32 $0xFFFFC000  }
0xce: {  	[spmem:s2] =	stream.indirect.scatter.add.f32 [tilespmem:s17], [sflag:$0x3], $0x80, s22, s16, $0xb8;
	[tilespmem:$0x1E800] =	vst v63  }
0xcf: {  	_ =	swait.ge [sflag:s13], $0x4000  }
0xd0: {  	[sflag:s13] =	ssyncset.done $0x0  }
0xd1: {  	[sflag:s13] =	ssyncadd.s32 $0xFFFFC000  }
0xd2: {  	[tilespmem:s17], [sflag:$0x1] =	stream.indirect.gather [hbm4b:s1+s16], $0x80, s14, s16, $0xb8;
	[tilespmem:$0x1E800] =	vst v63  }
0xd3: {  	_ =	swait.ge [sflag:s21], $0x4000  }
0xd4: {  	[sflag:s21] =	ssyncset.done $0x0  }
0xd5: {  	[sflag:s21] =	ssyncadd.s32 $0xFFFFC000  }
0xd6: {  	[spmem:s2] =	stream.indirect.scatter.add.f32 [tilespmem:s19], [sflag:$0x3], $0x80, s23, s16, $0xb8;
	[tilespmem:$0x1E800] =	vst v63  }
0xd7: {  	_ =	swait.ge [sflag:s13], $0x4000  }
0xd8: {  	[sflag:s13] =	ssyncset.done $0x0  }
0xd9: {  	[sflag:s13] =	ssyncadd.s32 $0xFFFFC000  }
0xda: {  	[tilespmem:s19], [sflag:$0x2] =	stream.indirect.gather [hbm4b:s1+s16], $0x80, s18, s16, $0xb8;
	[tilespmem:$0x1E800] =	vst v63  }
0xdb: {  	_ =	swait.ge [sflag:s20], $0x4000  }
0xdc: {  	[sflag:s20] =	ssyncset.done $0x0  }
0xdd: {  	[sflag:s20] =	ssyncadd.s32 $0xFFFFC000  }
0xde: {  	_ =	swait.ge [sflag:s21], $0x4000  }
0xdf: {  	s24 =	sshll.u32 s3, $0x6;
	s4 =	sadd.s32 $0x1, s4;
	[sflag:s21] =	ssyncset.done $0x0  }
0xe0: {  	s31 =	sshrl.u32 s5, $0x3;
	p0 =	sne.s32 s4, s11;
	[sflag:s21] =	ssyncadd.s32 $0xFFFFC000  }
.Ltmp3:
0xe1: {  	s24 =	sor.u32 $0x1C03, s24;
	[bflag:$0x0] =	sbarrier.arrive $0xFFFF;
	(pc) =	sbr.rel @p0 .LBB2_1-.Ltmp3, $4  }
0xe2: {  	[hbm:s10], [sflag:s24] =	dma.local [spmem:s31], $0x2780  }
0xe3: {  	_ =	swait.ge [sflag:s13], $0x2780  }
0xe4: {  	[sflag:s13] =	ssyncset.done $0x0  }
0xe5: {  	[sflag:s13] =	ssyncadd.s32 $0xFFFFD880  }
0xe6: {  	_ =	sfence.sel $0x180000  }
0xe7: {  	[bflag:$0x0] =	sbarrier.arrive $0xFFFF  }
0xe8: {  	p0 =	sne.s32 s3, $0x0;
	_ =	strace $0x9000004A  }
0xe9: {  	s0 =	sadd.s32 @!p0 $0x100000, s0;
	[bflag:$0x2] =	sbarrier.arrive $0xFFFF  }
0xea: {  	[sflag:s0] =	ssyncadd.tile.s32 @!p0 $0x1;
	_ =	shalt  }
.Lfunc_end2:
_tile_overlayer_lowered:
.L_overlay_start_2:
0xeb: {  	(tag) =	ssettag $0x2  }
0xec: {  	s0 =	rddreg [dreg:$0x0];
	s2 =	stileid.u32  }
0xed: {  	s1 =	rddreg [dreg:$0x1];
	p0 =	sne.s32 s2, $0x0  }
0xee: {  	s3 =	rddreg [dreg:$0x2];
	[bflag:$0x3] =	sbarrier.arrive $0xFFFF;
	s2 =	simm.s32 @!p0 $0x1C03  }
0xef: {  	[timem:s3], [sflag:s2] =	dma.local @!p0 [hbm:s0], s1  }
0xf0: {  	s0 =	simm.s32 @!p0 $0x3  }
0xf1: {  	_ =	swait.ge @!p0 [sflag:s0], s1  }
0xf2: {  	s1 =	ssub.s32 @!p0 $0x0, s1;
	[sflag:s0] =	ssyncset.done @!p0 $0x0  }
0xf3: {  	[sflag:s0] =	ssyncadd.s32 @!p0 s1  }
0xf4: {  	[bflag:$0x3] =	sbarrier.arrive $0xFFFF  }
0xf5: {  	_ =	shalt  }

</sc_bundles>
